<compile_context>
chip_gen: v7x
topology: tpu7x:2x2x1
jax: 0.10.2.dev20260603
libtpu: 0.0.44.dev20260713+nightly
codegen_flags: <defaults>
</compile_context>

<pallas_src>
import functools

import jax
import jax.numpy as jnp
from jax import lax
from jax.experimental import pallas as pl
from jax.experimental.pallas import tpu as pltpu
from jax.experimental.pallas import tpu_sc as plsc

B = 16384
K = 32
NC = 2
NS = 16
NW = NC * NS
BPW = B // NW
CHUNK = 128
NCHUNK = BPW // CHUNK
NSEM = 4


def _sc_gmf(uid_hbm, iid_hbm, wb_hbm, user_hbm, item_hbm, out_hbm,
            idx_u, idx_i, u_buf, i_buf, wb_v, out_v, *sems):
    sems_u = sems[:NSEM]
    sems_i = sems[NSEM:]
    wid = lax.axis_index("s") * NC + lax.axis_index("c")
    base = wid * BPW

    pltpu.sync_copy(uid_hbm.at[pl.ds(base, BPW)], idx_u)
    pltpu.sync_copy(iid_hbm.at[pl.ds(base, BPW)], idx_i)
    pltpu.sync_copy(wb_hbm, wb_v)

    iota16 = lax.iota(jnp.int32, 16)
    w_lo = wb_v[pl.ds(0, 16)]
    w_hi = wb_v[pl.ds(16, 16)]
    b_vec = wb_v[pl.ds(K, 16)]
    bias = jnp.zeros((16,), jnp.float32) + b_vec[0]
    perm_idx = [iota16 ^ s for s in (1, 2, 4, 8)]

    def _xor_perm(v, level):
        return v.at[perm_idx[level]].get(mode="promise_in_bounds",
                                         unique_indices=True)

    def chunk_body(c, carry):
        coff = pl.multiple_of(c * CHUNK, CHUNK)

        def fire_body(g, fcarry):
            goff = pl.multiple_of(coff + g * 16, 16)
            uvec = idx_u[pl.ds(goff, 16)]
            ivec = idx_i[pl.ds(goff, 16)]
            for j in range(16):
                dst = pl.ds(g * 16 + j, 1)
                pltpu.async_copy(user_hbm.at[pl.ds(uvec[j], 1), :],
                                 u_buf.at[dst, :], sems_u[j % NSEM])
                pltpu.async_copy(item_hbm.at[pl.ds(ivec[j], 1), :],
                                 i_buf.at[dst, :], sems_i[j % NSEM])
            return fcarry

        lax.fori_loop(0, CHUNK // 16, fire_body, 0)

        share = CHUNK // NSEM
        for q in range(NSEM):
            pltpu.make_async_copy(user_hbm.at[pl.ds(0, share), :],
                                  u_buf.at[pl.ds(0, share), :],
                                  sems_u[q]).wait()
            pltpu.make_async_copy(item_hbm.at[pl.ds(0, share), :],
                                  i_buf.at[pl.ds(0, share), :],
                                  sems_i[q]).wait()

        def blk_body(blk, bcarry):
            vecs = []
            for j in range(16):
                r = blk * 16 + j
                u0 = u_buf[r, pl.ds(0, 16)]
                u1 = u_buf[r, pl.ds(16, 16)]
                i0 = i_buf[r, pl.ds(0, 16)]
                i1 = i_buf[r, pl.ds(16, 16)]
                vecs.append(u0 * i0 * w_lo + u1 * i1 * w_hi)
            for level, s in enumerate((1, 2, 4, 8)):
                lane_bit = (iota16 & s) == 0
                nxt = []
                for j in range(0, len(vecs), 2):
                    a = vecs[j] + _xor_perm(vecs[j], level)
                    b = vecs[j + 1] + _xor_perm(vecs[j + 1], level)
                    nxt.append(jnp.where(lane_bit, a, b))
                vecs = nxt
            acc = vecs[0] + bias
            y = 1.0 / (1.0 + jnp.exp(-acc))
            start = pl.multiple_of(blk * 16, 16)
            out_v[pl.ds(coff + start, 16)] = y
            return bcarry

        lax.fori_loop(0, CHUNK // 16, blk_body, 0)
        return carry

    lax.fori_loop(0, NCHUNK, chunk_body, 0)

    pltpu.sync_copy(out_v, out_hbm.at[pl.ds(base, BPW)])


@jax.jit
def _gmf_call(uid, iid, wb, user_mat, item_mat):
    mesh = plsc.VectorSubcoreMesh(core_axis_name="c", subcore_axis_name="s")
    run = functools.partial(
        pl.kernel,
        mesh=mesh,
        out_type=jax.ShapeDtypeStruct((B,), jnp.float32),
        scratch_types=[
            pltpu.VMEM((BPW,), jnp.int32),
            pltpu.VMEM((BPW,), jnp.int32),
            pltpu.VMEM((CHUNK, K), jnp.float32),
            pltpu.VMEM((CHUNK, K), jnp.float32),
            pltpu.VMEM((K + 16,), jnp.float32),
            pltpu.VMEM((BPW,), jnp.float32),
        ] + [pltpu.SemaphoreType.DMA] * (2 * NSEM),
    )(_sc_gmf)
    return run(uid, iid, wb, user_mat, item_mat)


def kernel(uid, iid, user_mat, item_mat, affine_w, affine_b):
    wb = jnp.concatenate([affine_w.reshape(K), affine_b,
                          jnp.zeros((15,), jnp.float32)])
    return _gmf_call(uid, iid, wb, user_mat, item_mat)

# --- scband reference (transcript-rebuilt; emitter-appended) ---
"""Pipeline reference for scband-gmf-80238579023953 (READ-ONLY COPY).

The authoritative reference and input builder live on the scoring server;
editing this copy changes nothing except your own understanding.
"""

import jax, jax.numpy as jnp
import numpy as np

N_USER = 1000000
N_ITEM = 1000000
K = 32
BATCH = 16384


def setup_inputs(seed: int = 0) -> dict:
    key = jax.random.key(seed)
    k1, k2, k3, k4, k5, k6 = jax.random.split(key, 6)
    uid = jax.random.randint(k1, (BATCH,), 0, N_USER, dtype=jnp.int64 if jax.config.read('jax_enable_x64') else jnp.int32)
    iid = jax.random.randint(k2, (BATCH,), 0, N_ITEM, dtype=jnp.int64 if jax.config.read('jax_enable_x64') else jnp.int32)
    user_mat = jax.random.normal(k3, (N_USER, K), dtype=jnp.float32) * 0.01
    item_mat = jax.random.normal(k4, (N_ITEM, K), dtype=jnp.float32) * 0.01
    # xavier_uniform for affine weight of shape (1, K)
    limit = float(np.sqrt(6.0 / (K + 1)))
    affine_w = jax.random.uniform(k5, (1, K), dtype=jnp.float32, minval=-limit, maxval=limit)
    affine_b = jnp.zeros((1,), dtype=jnp.float32)
    return {"uid": uid, "iid": iid, "user_mat": user_mat, "item_mat": item_mat, "affine_w": affine_w, "affine_b": affine_b}


def reference(uid, iid, user_mat, item_mat, affine_w, affine_b):
    user_embedding = jnp.take(user_mat, uid, axis=0)   # [B, K]
    item_embedding = jnp.take(item_mat, iid, axis=0)   # [B, K]
    prod = user_embedding * item_embedding              # [B, K]
    logits = prod @ affine_w.T + affine_b               # [B, 1]
    rating = jax.nn.sigmoid(logits)
    return jnp.squeeze(rating, axis=-1)                 # [B]

if __name__ == "__main__":
    import jax
    _d = setup_inputs()
    print(jax.jit(kernel)(*tuple(_d.values())))

</pallas_src>

<mosaic_0001>
#map = affine_map<(d0, d1) -> (0)>
#map1 = affine_map<(d0, d1) -> (0, 0)>
module attributes {stable_mosaic.version = 14 : i64} {
  func.func @_sc_gmf(%arg0: i32, %arg1: i32, %arg2: memref<16384xi32, #tpu.memory_space<hbm>>, %arg3: memref<16384xi32, #tpu.memory_space<hbm>>, %arg4: memref<48xf32, #tpu.memory_space<hbm>>, %arg5: memref<1000000x32xf32, #tpu.memory_space<hbm>>, %arg6: memref<1000000x32xf32, #tpu.memory_space<hbm>>, %arg7: memref<16384xf32, #tpu.memory_space<hbm>>, %arg8: memref<512xi32, #tpu.memory_space<vmem>>, %arg9: memref<512xi32, #tpu.memory_space<vmem>>, %arg10: memref<128x32xf32, #tpu.memory_space<vmem>>, %arg11: memref<128x32xf32, #tpu.memory_space<vmem>>, %arg12: memref<48xf32, #tpu.memory_space<vmem>>, %arg13: memref<512xf32, #tpu.memory_space<vmem>>, %arg14: memref<!tpu.dma_semaphore, #tpu.memory_space<semaphore_mem>>, %arg15: memref<!tpu.dma_semaphore, #tpu.memory_space<semaphore_mem>>, %arg16: memref<!tpu.dma_semaphore, #tpu.memory_space<semaphore_mem>>, %arg17: memref<!tpu.dma_semaphore, #tpu.memory_space<semaphore_mem>>, %arg18: memref<!tpu.dma_semaphore, #tpu.memory_space<semaphore_mem>>, %arg19: memref<!tpu.dma_semaphore, #tpu.memory_space<semaphore_mem>>, %arg20: memref<!tpu.dma_semaphore, #tpu.memory_space<semaphore_mem>>, %arg21: memref<!tpu.dma_semaphore, #tpu.memory_space<semaphore_mem>>) attributes {dimension_semantics = [#tpu.dimension_semantics<core_parallel>, #tpu.dimension_semantics<subcore_parallel>], iteration_bounds = array<i64: 2, 16>, scalar_prefetch = 0 : i64, scratch_operands = 14 : i64, tpu.core_type = #tpu.core_type<sc_vector_subcore>, window_params = [{transform_indices = #map}, {transform_indices = #map}, {transform_indices = #map}, {transform_indices = #map1}, {transform_indices = #map1}, {transform_indices = #map}]} {
    %mul3A = arith.constant 2 : i32
    %mul3A_0 = arith.muli %arg1, %mul3A : i32
    %add3A = arith.addi %mul3A_0, %arg0 : i32
    %mul3A_1 = arith.constant 512 : i32
    %mul3A_2 = arith.muli %add3A, %mul3A_1 : i32
    "tpu.region"() ({
      %run_scoped3A = tpu.sem_alloc : memref<!tpu.dma_semaphore, #tpu.memory_space<semaphore_mem>>
      %dma_start3A = tpu.memref_slice %arg2[%mul3A_2] : memref<16384xi32, #tpu.memory_space<hbm>> -> memref<512xi32, #tpu.memory_space<hbm>>
      %dma_start3A_30 = tpu.memref_slice %arg2[%mul3A_2] : memref<16384xi32, #tpu.memory_space<hbm>> -> memref<512xi32, #tpu.memory_space<hbm>>
      tpu.enqueue_dma source(%dma_start3A_30 : memref<512xi32, #tpu.memory_space<hbm>>) target(%arg8 : memref<512xi32, #tpu.memory_space<vmem>>) target_semaphore(%run_scoped3A : memref<!tpu.dma_semaphore, #tpu.memory_space<semaphore_mem>>)
      %dma_wait3A = tpu.memref_slice %arg2[%mul3A_2] : memref<16384xi32, #tpu.memory_space<hbm>> -> memref<512xi32, #tpu.memory_space<hbm>>
      %dma_wait3A_31 = tpu.memref_slice %arg2[%mul3A_2] : memref<16384xi32, #tpu.memory_space<hbm>> -> memref<512xi32, #tpu.memory_space<hbm>>
      tpu.wait_dma2 semaphore(%run_scoped3A : memref<!tpu.dma_semaphore, #tpu.memory_space<semaphore_mem>>) src(%dma_wait3A_31 : memref<512xi32, #tpu.memory_space<hbm>>) dst(%arg8 : memref<512xi32, #tpu.memory_space<vmem>>)
      tpu.yield
    }) : () -> ()
    "tpu.region"() ({
      %run_scoped3A = tpu.sem_alloc : memref<!tpu.dma_semaphore, #tpu.memory_space<semaphore_mem>>
      %dma_start3A = tpu.memref_slice %arg3[%mul3A_2] : memref<16384xi32, #tpu.memory_space<hbm>> -> memref<512xi32, #tpu.memory_space<hbm>>
      %dma_start3A_30 = tpu.memref_slice %arg3[%mul3A_2] : memref<16384xi32, #tpu.memory_space<hbm>> -> memref<512xi32, #tpu.memory_space<hbm>>
      tpu.enqueue_dma source(%dma_start3A_30 : memref<512xi32, #tpu.memory_space<hbm>>) target(%arg9 : memref<512xi32, #tpu.memory_space<vmem>>) target_semaphore(%run_scoped3A : memref<!tpu.dma_semaphore, #tpu.memory_space<semaphore_mem>>)
      %dma_wait3A = tpu.memref_slice %arg3[%mul3A_2] : memref<16384xi32, #tpu.memory_space<hbm>> -> memref<512xi32, #tpu.memory_space<hbm>>
      %dma_wait3A_31 = tpu.memref_slice %arg3[%mul3A_2] : memref<16384xi32, #tpu.memory_space<hbm>> -> memref<512xi32, #tpu.memory_space<hbm>>
      tpu.wait_dma2 semaphore(%run_scoped3A : memref<!tpu.dma_semaphore, #tpu.memory_space<semaphore_mem>>) src(%dma_wait3A_31 : memref<512xi32, #tpu.memory_space<hbm>>) dst(%arg9 : memref<512xi32, #tpu.memory_space<vmem>>)
      tpu.yield
    }) : () -> ()
    "tpu.region"() ({
      %run_scoped3A = tpu.sem_alloc : memref<!tpu.dma_semaphore, #tpu.memory_space<semaphore_mem>>
      tpu.enqueue_dma source(%arg4 : memref<48xf32, #tpu.memory_space<hbm>>) target(%arg12 : memref<48xf32, #tpu.memory_space<vmem>>) target_semaphore(%run_scoped3A : memref<!tpu.dma_semaphore, #tpu.memory_space<semaphore_mem>>)
      tpu.wait_dma2 semaphore(%run_scoped3A : memref<!tpu.dma_semaphore, #tpu.memory_space<semaphore_mem>>) src(%arg4 : memref<48xf32, #tpu.memory_space<hbm>>) dst(%arg12 : memref<48xf32, #tpu.memory_space<vmem>>)
      tpu.yield
    }) : () -> ()
    %iota3A = tpu.iota {dimensions = array<i32: 0>} : vector<16xi32>
    %get3A = arith.constant 0 : index
    %get3A_3 = tpu.vector_load %arg12[%get3A] {strides = array<i32>} : memref<48xf32, #tpu.memory_space<vmem>>, vector<16xf32>,
    %get3A_4 = vector.shape_cast %get3A_3 : vector<16xf32> to vector<16xf32>
    %get3A_5 = arith.constant 16 : index
    %get3A_6 = tpu.vector_load %arg12[%get3A_5] {strides = array<i32>} : memref<48xf32, #tpu.memory_space<vmem>>, vector<16xf32>,
    %get3A_7 = vector.shape_cast %get3A_6 : vector<16xf32> to vector<16xf32>
    %get3A_8 = arith.constant 32 : index
    %get3A_9 = tpu.vector_load %arg12[%get3A_8] {strides = array<i32>} : memref<48xf32, #tpu.memory_space<vmem>>, vector<16xf32>,
    %get3A_10 = vector.shape_cast %get3A_9 : vector<16xf32> to vector<16xf32>
    %broadcast_in_dim3A = arith.constant 0.000000e+00 : f32
    %broadcast_in_dim3A_11 = vector.broadcast %broadcast_in_dim3A : f32 to vector<16xf32>
    %slice3A = vector.extract_strided_slice %get3A_10 {offsets = [0], sizes = [1], strides = [1]} : vector<16xf32> to vector<1xf32>
    %squeeze3A = vector.extract %slice3A[0] : f32 from vector<1xf32>
    %add3A_12 = vector.broadcast %squeeze3A : f32 to vector<16xf32>
    %add3A_13 = arith.addf %broadcast_in_dim3A_11, %add3A_12 : vector<16xf32>
    %xor3A = arith.constant 1 : i32
    %xor3A_14 = vector.broadcast %xor3A : i32 to vector<16xi32>
    %xor3A_15 = arith.xori %iota3A, %xor3A_14 : vector<16xi32>
    %xor3A_16 = arith.constant 2 : i32
    %xor3A_17 = vector.broadcast %xor3A_16 : i32 to vector<16xi32>
    %xor3A_18 = arith.xori %iota3A, %xor3A_17 : vector<16xi32>
    %xor3A_19 = arith.constant 4 : i32
    %xor3A_20 = vector.broadcast %xor3A_19 : i32 to vector<16xi32>
    %xor3A_21 = arith.xori %iota3A, %xor3A_20 : vector<16xi32>
    %xor3A_22 = arith.constant 8 : i32
    %xor3A_23 = vector.broadcast %xor3A_22 : i32 to vector<16xi32>
    %xor3A_24 = arith.xori %iota3A, %xor3A_23 : vector<16xi32>
    %scan3A = arith.constant 0 : i32
    %scan3A_25 = arith.constant 0 : i32
    %scan3A_26 = arith.constant 4 : i32
    %scan3A_27 = arith.addi %scan3A_25, %scan3A_26 : i32
    %scan3A_28 = arith.constant 1 : i32
    scf.for %scan3A_30 = %scan3A_25 to %scan3A_27 step %scan3A_28  : i32 {
      %mul3A_31 = arith.constant 128 : i32
      %mul3A_32 = arith.muli %scan3A_30, %mul3A_31 : i32
      %multiple_of3A = tpu.assume_multiple %mul3A_32, 128 : i32
      %scan3A_33 = arith.constant 0 : i32
      %scan3A_34 = arith.constant 0 : i32
      %scan3A_35 = arith.constant 8 : i32
      %scan3A_36 = arith.addi %scan3A_34, %scan3A_35 : i32
      %scan3A_37 = arith.constant 1 : i32
      scf.for %scan3A_140 = %scan3A_34 to %scan3A_36 step %scan3A_37  : i32 {
        %mul3A_141 = arith.constant 16 : i32
        %mul3A_142 = arith.muli %scan3A_140, %mul3A_141 : i32
        %add3A_143 = arith.addi %multiple_of3A, %mul3A_142 : i32
        %multiple_of3A_144 = tpu.assume_multiple %add3A_143, 16 : i32
        %get3A_145 = arith.index_cast %multiple_of3A_144 : i32 to index
        %get3A_146 = tpu.vector_load %arg8[%get3A_145] {strides = array<i32>} : memref<512xi32, #tpu.memory_space<vmem>>, vector<16xi32>,
        %get3A_147 = vector.shape_cast %get3A_146 : vector<16xi32> to vector<16xi32>
        %get3A_148 = arith.index_cast %multiple_of3A_144 : i32 to index
        %get3A_149 = tpu.vector_load %arg9[%get3A_148] {strides = array<i32>} : memref<512xi32, #tpu.memory_space<vmem>>, vector<16xi32>,
        %get3A_150 = vector.shape_cast %get3A_149 : vector<16xi32> to vector<16xi32>
        %mul3A_151 = arith.constant 16 : i32
        %mul3A_152 = arith.muli %scan3A_140, %mul3A_151 : i32
        %add3A_153 = arith.constant 0 : i32
        %add3A_154 = arith.addi %mul3A_152, %add3A_153 : i32
        %slice3A_155 = vector.extract_strided_slice %get3A_147 {offsets = [0], sizes = [1], strides = [1]} : vector<16xi32> to vector<1xi32>
        %squeeze3A_156 = vector.extract %slice3A_155[0] : i32 from vector<1xi32>
        %dma_start3A = arith.constant 0 : i32
        %dma_start3A_157 = tpu.memref_slice %arg10[%add3A_154, %dma_start3A] : memref<128x32xf32, #tpu.memory_space<vmem>> -> memref<1x32xf32, #tpu.memory_space<vmem>>
        %dma_start3A_158 = arith.constant 0 : i32
        %dma_start3A_159 = tpu.memref_slice %arg5[%squeeze3A_156, %dma_start3A_158] : memref<1000000x32xf32, #tpu.memory_space<hbm>> -> memref<1x32xf32, #tpu.memory_space<hbm>>
        %dma_start3A_160 = arith.constant 0 : i32
        %dma_start3A_161 = tpu.memref_slice %arg10[%add3A_154, %dma_start3A_160] : memref<128x32xf32, #tpu.memory_space<vmem>> -> memref<1x32xf32, #tpu.memory_space<vmem>>
        %dma_start3A_162 = arith.constant 0 : i32
        %dma_start3A_163 = tpu.memref_slice %arg5[%squeeze3A_156, %dma_start3A_162] : memref<1000000x32xf32, #tpu.memory_space<hbm>> -> memref<1x32xf32, #tpu.memory_space<hbm>>
        tpu.enqueue_dma source(%dma_start3A_163 : memref<1x32xf32, #tpu.memory_space<hbm>>) target(%dma_start3A_161 : memref<1x32xf32, #tpu.memory_space<vmem>>) target_semaphore(%arg14 : memref<!tpu.dma_semaphore, #tpu.memory_space<semaphore_mem>>)
        %slice3A_164 = vector.extract_strided_slice %get3A_150 {offsets = [0], sizes = [1], strides = [1]} : vector<16xi32> to vector<1xi32>
        %squeeze3A_165 = vector.extract %slice3A_164[0] : i32 from vector<1xi32>
        %dma_start3A_166 = arith.constant 0 : i32
        %dma_start3A_167 = tpu.memref_slice %arg11[%add3A_154, %dma_start3A_166] : memref<128x32xf32, #tpu.memory_space<vmem>> -> memref<1x32xf32, #tpu.memory_space<vmem>>
        %dma_start3A_168 = arith.constant 0 : i32
        %dma_start3A_169 = tpu.memref_slice %arg6[%squeeze3A_165, %dma_start3A_168] : memref<1000000x32xf32, #tpu.memory_space<hbm>> -> memref<1x32xf32, #tpu.memory_space<hbm>>
        %dma_start3A_170 = arith.constant 0 : i32
        %dma_start3A_171 = tpu.memref_slice %arg11[%add3A_154, %dma_start3A_170] : memref<128x32xf32, #tpu.memory_space<vmem>> -> memref<1x32xf32, #tpu.memory_space<vmem>>
        %dma_start3A_172 = arith.constant 0 : i32
        %dma_start3A_173 = tpu.memref_slice %arg6[%squeeze3A_165, %dma_start3A_172] : memref<1000000x32xf32, #tpu.memory_space<hbm>> -> memref<1x32xf32, #tpu.memory_space<hbm>>
        tpu.enqueue_dma source(%dma_start3A_173 : memref<1x32xf32, #tpu.memory_space<hbm>>) target(%dma_start3A_171 : memref<1x32xf32, #tpu.memory_space<vmem>>) target_semaphore(%arg18 : memref<!tpu.dma_semaphore, #tpu.memory_space<semaphore_mem>>)
        %mul3A_174 = arith.constant 16 : i32
        %mul3A_175 = arith.muli %scan3A_140, %mul3A_174 : i32
        %add3A_176 = arith.constant 1 : i32
        %add3A_177 = arith.addi %mul3A_175, %add3A_176 : i32
        %slice3A_178 = vector.extract_strided_slice %get3A_147 {offsets = [1], sizes = [1], strides = [1]} : vector<16xi32> to vector<1xi32>
        %squeeze3A_179 = vector.extract %slice3A_178[0] : i32 from vector<1xi32>
        %dma_start3A_180 = arith.constant 0 : i32
        %dma_start3A_181 = tpu.memref_slice %arg10[%add3A_177, %dma_start3A_180] : memref<128x32xf32, #tpu.memory_space<vmem>> -> memref<1x32xf32, #tpu.memory_space<vmem>>
        %dma_start3A_182 = arith.constant 0 : i32
        %dma_start3A_183 = tpu.memref_slice %arg5[%squeeze3A_179, %dma_start3A_182] : memref<1000000x32xf32, #tpu.memory_space<hbm>> -> memref<1x32xf32, #tpu.memory_space<hbm>>
        %dma_start3A_184 = arith.constant 0 : i32
        %dma_start3A_185 = tpu.memref_slice %arg10[%add3A_177, %dma_start3A_184] : memref<128x32xf32, #tpu.memory_space<vmem>> -> memref<1x32xf32, #tpu.memory_space<vmem>>
        %dma_start3A_186 = arith.constant 0 : i32
        %dma_start3A_187 = tpu.memref_slice %arg5[%squeeze3A_179, %dma_start3A_186] : memref<1000000x32xf32, #tpu.memory_space<hbm>> -> memref<1x32xf32, #tpu.memory_space<hbm>>
        tpu.enqueue_dma source(%dma_start3A_187 : memref<1x32xf32, #tpu.memory_space<hbm>>) target(%dma_start3A_185 : memref<1x32xf32, #tpu.memory_space<vmem>>) target_semaphore(%arg15 : memref<!tpu.dma_semaphore, #tpu.memory_space<semaphore_mem>>)
        %slice3A_188 = vector.extract_strided_slice %get3A_150 {offsets = [1], sizes = [1], strides = [1]} : vector<16xi32> to vector<1xi32>
        %squeeze3A_189 = vector.extract %slice3A_188[0] : i32 from vector<1xi32>
        %dma_start3A_190 = arith.constant 0 : i32
        %dma_start3A_191 = tpu.memref_slice %arg11[%add3A_177, %dma_start3A_190] : memref<128x32xf32, #tpu.memory_space<vmem>> -> memref<1x32xf32, #tpu.memory_space<vmem>>
        %dma_start3A_192 = arith.constant 0 : i32
        %dma_start3A_193 = tpu.memref_slice %arg6[%squeeze3A_189, %dma_start3A_192] : memref<1000000x32xf32, #tpu.memory_space<hbm>> -> memref<1x32xf32, #tpu.memory_space<hbm>>
        %dma_start3A_194 = arith.constant 0 : i32
        %dma_start3A_195 = tpu.memref_slice %arg11[%add3A_177, %dma_start3A_194] : memref<128x32xf32, #tpu.memory_space<vmem>> -> memref<1x32xf32, #tpu.memory_space<vmem>>
        %dma_start3A_196 = arith.constant 0 : i32
        %dma_start3A_197 = tpu.memref_slice %arg6[%squeeze3A_189, %dma_start3A_196] : memref<1000000x32xf32, #tpu.memory_space<hbm>> -> memref<1x32xf32, #tpu.memory_space<hbm>>
        tpu.enqueue_dma source(%dma_start3A_197 : memref<1x32xf32, #tpu.memory_space<hbm>>) target(%dma_start3A_195 : memref<1x32xf32, #tpu.memory_space<vmem>>) target_semaphore(%arg19 : memref<!tpu.dma_semaphore, #tpu.memory_space<semaphore_mem>>)
        %mul3A_198 = arith.constant 16 : i32
        %mul3A_199 = arith.muli %scan3A_140, %mul3A_198 : i32
        %add3A_200 = arith.constant 2 : i32
        %add3A_201 = arith.addi %mul3A_199, %add3A_200 : i32
        %slice3A_202 = vector.extract_strided_slice %get3A_147 {offsets = [2], sizes = [1], strides = [1]} : vector<16xi32> to vector<1xi32>
        %squeeze3A_203 = vector.extract %slice3A_202[0] : i32 from vector<1xi32>
        %dma_start3A_204 = arith.constant 0 : i32
        %dma_start3A_205 = tpu.memref_slice %arg10[%add3A_201, %dma_start3A_204] : memref<128x32xf32, #tpu.memory_space<vmem>> -> memref<1x32xf32, #tpu.memory_space<vmem>>
        %dma_start3A_206 = arith.constant 0 : i32
        %dma_start3A_207 = tpu.memref_slice %arg5[%squeeze3A_203, %dma_start3A_206] : memref<1000000x32xf32, #tpu.memory_space<hbm>> -> memref<1x32xf32, #tpu.memory_space<hbm>>
        %dma_start3A_208 = arith.constant 0 : i32
        %dma_start3A_209 = tpu.memref_slice %arg10[%add3A_201, %dma_start3A_208] : memref<128x32xf32, #tpu.memory_space<vmem>> -> memref<1x32xf32, #tpu.memory_space<vmem>>
        %dma_start3A_210 = arith.constant 0 : i32
        %dma_start3A_211 = tpu.memref_slice %arg5[%squeeze3A_203, %dma_start3A_210] : memref<1000000x32xf32, #tpu.memory_space<hbm>> -> memref<1x32xf32, #tpu.memory_space<hbm>>
        tpu.enqueue_dma source(%dma_start3A_211 : memref<1x32xf32, #tpu.memory_space<hbm>>) target(%dma_start3A_209 : memref<1x32xf32, #tpu.memory_space<vmem>>) target_semaphore(%arg16 : memref<!tpu.dma_semaphore, #tpu.memory_space<semaphore_mem>>)
        %slice3A_212 = vector.extract_strided_slice %get3A_150 {offsets = [2], sizes = [1], strides = [1]} : vector<16xi32> to vector<1xi32>
        %squeeze3A_213 = vector.extract %slice3A_212[0] : i32 from vector<1xi32>
        %dma_start3A_214 = arith.constant 0 : i32
        %dma_start3A_215 = tpu.memref_slice %arg11[%add3A_201, %dma_start3A_214] : memref<128x32xf32, #tpu.memory_space<vmem>> -> memref<1x32xf32, #tpu.memory_space<vmem>>
        %dma_start3A_216 = arith.constant 0 : i32
        %dma_start3A_217 = tpu.memref_slice %arg6[%squeeze3A_213, %dma_start3A_216] : memref<1000000x32xf32, #tpu.memory_space<hbm>> -> memref<1x32xf32, #tpu.memory_space<hbm>>
        %dma_start3A_218 = arith.constant 0 : i32
        %dma_start3A_219 = tpu.memref_slice %arg11[%add3A_201, %dma_start3A_218] : memref<128x32xf32, #tpu.memory_space<vmem>> -> memref<1x32xf32, #tpu.memory_space<vmem>>
        %dma_start3A_220 = arith.constant 0 : i32
        %dma_start3A_221 = tpu.memref_slice %arg6[%squeeze3A_213, %dma_start3A_220] : memref<1000000x32xf32, #tpu.memory_space<hbm>> -> memref<1x32xf32, #tpu.memory_space<hbm>>
        tpu.enqueue_dma source(%dma_start3A_221 : memref<1x32xf32, #tpu.memory_space<hbm>>) target(%dma_start3A_219 : memref<1x32xf32, #tpu.memory_space<vmem>>) target_semaphore(%arg20 : memref<!tpu.dma_semaphore, #tpu.memory_space<semaphore_mem>>)
        %mul3A_222 = arith.constant 16 : i32
        %mul3A_223 = arith.muli %scan3A_140, %mul3A_222 : i32
        %add3A_224 = arith.constant 3 : i32
        %add3A_225 = arith.addi %mul3A_223, %add3A_224 : i32
        %slice3A_226 = vector.extract_strided_slice %get3A_147 {offsets = [3], sizes = [1], strides = [1]} : vector<16xi32> to vector<1xi32>
        %squeeze3A_227 = vector.extract %slice3A_226[0] : i32 from vector<1xi32>
        %dma_start3A_228 = arith.constant 0 : i32
        %dma_start3A_229 = tpu.memref_slice %arg10[%add3A_225, %dma_start3A_228] : memref<128x32xf32, #tpu.memory_space<vmem>> -> memref<1x32xf32, #tpu.memory_space<vmem>>
        %dma_start3A_230 = arith.constant 0 : i32
        %dma_start3A_231 = tpu.memref_slice %arg5[%squeeze3A_227, %dma_start3A_230] : memref<1000000x32xf32, #tpu.memory_space<hbm>> -> memref<1x32xf32, #tpu.memory_space<hbm>>
        %dma_start3A_232 = arith.constant 0 : i32
        %dma_start3A_233 = tpu.memref_slice %arg10[%add3A_225, %dma_start3A_232] : memref<128x32xf32, #tpu.memory_space<vmem>> -> memref<1x32xf32, #tpu.memory_space<vmem>>
        %dma_start3A_234 = arith.constant 0 : i32
        %dma_start3A_235 = tpu.memref_slice %arg5[%squeeze3A_227, %dma_start3A_234] : memref<1000000x32xf32, #tpu.memory_space<hbm>> -> memref<1x32xf32, #tpu.memory_space<hbm>>
        tpu.enqueue_dma source(%dma_start3A_235 : memref<1x32xf32, #tpu.memory_space<hbm>>) target(%dma_start3A_233 : memref<1x32xf32, #tpu.memory_space<vmem>>) target_semaphore(%arg17 : memref<!tpu.dma_semaphore, #tpu.memory_space<semaphore_mem>>)
        %slice3A_236 = vector.extract_strided_slice %get3A_150 {offsets = [3], sizes = [1], strides = [1]} : vector<16xi32> to vector<1xi32>
        %squeeze3A_237 = vector.extract %slice3A_236[0] : i32 from vector<1xi32>
        %dma_start3A_238 = arith.constant 0 : i32
        %dma_start3A_239 = tpu.memref_slice %arg11[%add3A_225, %dma_start3A_238] : memref<128x32xf32, #tpu.memory_space<vmem>> -> memref<1x32xf32, #tpu.memory_space<vmem>>
        %dma_start3A_240 = arith.constant 0 : i32
        %dma_start3A_241 = tpu.memref_slice %arg6[%squeeze3A_237, %dma_start3A_240] : memref<1000000x32xf32, #tpu.memory_space<hbm>> -> memref<1x32xf32, #tpu.memory_space<hbm>>
        %dma_start3A_242 = arith.constant 0 : i32
        %dma_start3A_243 = tpu.memref_slice %arg11[%add3A_225, %dma_start3A_242] : memref<128x32xf32, #tpu.memory_space<vmem>> -> memref<1x32xf32, #tpu.memory_space<vmem>>
        %dma_start3A_244 = arith.constant 0 : i32
        %dma_start3A_245 = tpu.memref_slice %arg6[%squeeze3A_237, %dma_start3A_244] : memref<1000000x32xf32, #tpu.memory_space<hbm>> -> memref<1x32xf32, #tpu.memory_space<hbm>>
        tpu.enqueue_dma source(%dma_start3A_245 : memref<1x32xf32, #tpu.memory_space<hbm>>) target(%dma_start3A_243 : memref<1x32xf32, #tpu.memory_space<vmem>>) target_semaphore(%arg21 : memref<!tpu.dma_semaphore, #tpu.memory_space<semaphore_mem>>)
        %mul3A_246 = arith.constant 16 : i32
        %mul3A_247 = arith.muli %scan3A_140, %mul3A_246 : i32
        %add3A_248 = arith.constant 4 : i32
        %add3A_249 = arith.addi %mul3A_247, %add3A_248 : i32
        %slice3A_250 = vector.extract_strided_slice %get3A_147 {offsets = [4], sizes = [1], strides = [1]} : vector<16xi32> to vector<1xi32>
        %squeeze3A_251 = vector.extract %slice3A_250[0] : i32 from vector<1xi32>
        %dma_start3A_252 = arith.constant 0 : i32
        %dma_start3A_253 = tpu.memref_slice %arg10[%add3A_249, %dma_start3A_252] : memref<128x32xf32, #tpu.memory_space<vmem>> -> memref<1x32xf32, #tpu.memory_space<vmem>>
        %dma_start3A_254 = arith.constant 0 : i32
        %dma_start3A_255 = tpu.memref_slice %arg5[%squeeze3A_251, %dma_start3A_254] : memref<1000000x32xf32, #tpu.memory_space<hbm>> -> memref<1x32xf32, #tpu.memory_space<hbm>>
        %dma_start3A_256 = arith.constant 0 : i32
        %dma_start3A_257 = tpu.memref_slice %arg10[%add3A_249, %dma_start3A_256] : memref<128x32xf32, #tpu.memory_space<vmem>> -> memref<1x32xf32, #tpu.memory_space<vmem>>
        %dma_start3A_258 = arith.constant 0 : i32
        %dma_start3A_259 = tpu.memref_slice %arg5[%squeeze3A_251, %dma_start3A_258] : memref<1000000x32xf32, #tpu.memory_space<hbm>> -> memref<1x32xf32, #tpu.memory_space<hbm>>
        tpu.enqueue_dma source(%dma_start3A_259 : memref<1x32xf32, #tpu.memory_space<hbm>>) target(%dma_start3A_257 : memref<1x32xf32, #tpu.memory_space<vmem>>) target_semaphore(%arg14 : memref<!tpu.dma_semaphore, #tpu.memory_space<semaphore_mem>>)
        %slice3A_260 = vector.extract_strided_slice %get3A_150 {offsets = [4], sizes = [1], strides = [1]} : vector<16xi32> to vector<1xi32>
        %squeeze3A_261 = vector.extract %slice3A_260[0] : i32 from vector<1xi32>
        %dma_start3A_262 = arith.constant 0 : i32
        %dma_start3A_263 = tpu.memref_slice %arg11[%add3A_249, %dma_start3A_262] : memref<128x32xf32, #tpu.memory_space<vmem>> -> memref<1x32xf32, #tpu.memory_space<vmem>>
        %dma_start3A_264 = arith.constant 0 : i32
        %dma_start3A_265 = tpu.memref_slice %arg6[%squeeze3A_261, %dma_start3A_264] : memref<1000000x32xf32, #tpu.memory_space<hbm>> -> memref<1x32xf32, #tpu.memory_space<hbm>>
        %dma_start3A_266 = arith.constant 0 : i32
        %dma_start3A_267 = tpu.memref_slice %arg11[%add3A_249, %dma_start3A_266] : memref<128x32xf32, #tpu.memory_space<vmem>> -> memref<1x32xf32, #tpu.memory_space<vmem>>
        %dma_start3A_268 = arith.constant 0 : i32
        %dma_start3A_269 = tpu.memref_slice %arg6[%squeeze3A_261, %dma_start3A_268] : memref<1000000x32xf32, #tpu.memory_space<hbm>> -> memref<1x32xf32, #tpu.memory_space<hbm>>
        tpu.enqueue_dma source(%dma_start3A_269 : memref<1x32xf32, #tpu.memory_space<hbm>>) target(%dma_start3A_267 : memref<1x32xf32, #tpu.memory_space<vmem>>) target_semaphore(%arg18 : memref<!tpu.dma_semaphore, #tpu.memory_space<semaphore_mem>>)
        %mul3A_270 = arith.constant 16 : i32
        %mul3A_271 = arith.muli %scan3A_140, %mul3A_270 : i32
        %add3A_272 = arith.constant 5 : i32
        %add3A_273 = arith.addi %mul3A_271, %add3A_272 : i32
        %slice3A_274 = vector.extract_strided_slice %get3A_147 {offsets = [5], sizes = [1], strides = [1]} : vector<16xi32> to vector<1xi32>
        %squeeze3A_275 = vector.extract %slice3A_274[0] : i32 from vector<1xi32>
        %dma_start3A_276 = arith.constant 0 : i32
        %dma_start3A_277 = tpu.memref_slice %arg10[%add3A_273, %dma_start3A_276] : memref<128x32xf32, #tpu.memory_space<vmem>> -> memref<1x32xf32, #tpu.memory_space<vmem>>
        %dma_start3A_278 = arith.constant 0 : i32
        %dma_start3A_279 = tpu.memref_slice %arg5[%squeeze3A_275, %dma_start3A_278] : memref<1000000x32xf32, #tpu.memory_space<hbm>> -> memref<1x32xf32, #tpu.memory_space<hbm>>
        %dma_start3A_280 = arith.constant 0 : i32
        %dma_start3A_281 = tpu.memref_slice %arg10[%add3A_273, %dma_start3A_280] : memref<128x32xf32, #tpu.memory_space<vmem>> -> memref<1x32xf32, #tpu.memory_space<vmem>>
        %dma_start3A_282 = arith.constant 0 : i32
        %dma_start3A_283 = tpu.memref_slice %arg5[%squeeze3A_275, %dma_start3A_282] : memref<1000000x32xf32, #tpu.memory_space<hbm>> -> memref<1x32xf32, #tpu.memory_space<hbm>>
        tpu.enqueue_dma source(%dma_start3A_283 : memref<1x32xf32, #tpu.memory_space<hbm>>) target(%dma_start3A_281 : memref<1x32xf32, #tpu.memory_space<vmem>>) target_semaphore(%arg15 : memref<!tpu.dma_semaphore, #tpu.memory_space<semaphore_mem>>)
        %slice3A_284 = vector.extract_strided_slice %get3A_150 {offsets = [5], sizes = [1], strides = [1]} : vector<16xi32> to vector<1xi32>
        %squeeze3A_285 = vector.extract %slice3A_284[0] : i32 from vector<1xi32>
        %dma_start3A_286 = arith.constant 0 : i32
        %dma_start3A_287 = tpu.memref_slice %arg11[%add3A_273, %dma_start3A_286] : memref<128x32xf32, #tpu.memory_space<vmem>> -> memref<1x32xf32, #tpu.memory_space<vmem>>
        %dma_start3A_288 = arith.constant 0 : i32
        %dma_start3A_289 = tpu.memref_slice %arg6[%squeeze3A_285, %dma_start3A_288] : memref<1000000x32xf32, #tpu.memory_space<hbm>> -> memref<1x32xf32, #tpu.memory_space<hbm>>
        %dma_start3A_290 = arith.constant 0 : i32
        %dma_start3A_291 = tpu.memref_slice %arg11[%add3A_273, %dma_start3A_290] : memref<128x32xf32, #tpu.memory_space<vmem>> -> memref<1x32xf32, #tpu.memory_space<vmem>>
        %dma_start3A_292 = arith.constant 0 : i32
        %dma_start3A_293 = tpu.memref_slice %arg6[%squeeze3A_285, %dma_start3A_292] : memref<1000000x32xf32, #tpu.memory_space<hbm>> -> memref<1x32xf32, #tpu.memory_space<hbm>>
        tpu.enqueue_dma source(%dma_start3A_293 : memref<1x32xf32, #tpu.memory_space<hbm>>) target(%dma_start3A_291 : memref<1x32xf32, #tpu.memory_space<vmem>>) target_semaphore(%arg19 : memref<!tpu.dma_semaphore, #tpu.memory_space<semaphore_mem>>)
        %mul3A_294 = arith.constant 16 : i32
        %mul3A_295 = arith.muli %scan3A_140, %mul3A_294 : i32
        %add3A_296 = arith.constant 6 : i32
        %add3A_297 = arith.addi %mul3A_295, %add3A_296 : i32
        %slice3A_298 = vector.extract_strided_slice %get3A_147 {offsets = [6], sizes = [1], strides = [1]} : vector<16xi32> to vector<1xi32>
        %squeeze3A_299 = vector.extract %slice3A_298[0] : i32 from vector<1xi32>
        %dma_start3A_300 = arith.constant 0 : i32
        %dma_start3A_301 = tpu.memref_slice %arg10[%add3A_297, %dma_start3A_300] : memref<128x32xf32, #tpu.memory_space<vmem>> -> memref<1x32xf32, #tpu.memory_space<vmem>>
        %dma_start3A_302 = arith.constant 0 : i32
        %dma_start3A_303 = tpu.memref_slice %arg5[%squeeze3A_299, %dma_start3A_302] : memref<1000000x32xf32, #tpu.memory_space<hbm>> -> memref<1x32xf32, #tpu.memory_space<hbm>>
        %dma_start3A_304 = arith.constant 0 : i32
        %dma_start3A_305 = tpu.memref_slice %arg10[%add3A_297, %dma_start3A_304] : memref<128x32xf32, #tpu.memory_space<vmem>> -> memref<1x32xf32, #tpu.memory_space<vmem>>
        %dma_start3A_306 = arith.constant 0 : i32
        %dma_start3A_307 = tpu.memref_slice %arg5[%squeeze3A_299, %dma_start3A_306] : memref<1000000x32xf32, #tpu.memory_space<hbm>> -> memref<1x32xf32, #tpu.memory_space<hbm>>
        tpu.enqueue_dma source(%dma_start3A_307 : memref<1x32xf32, #tpu.memory_space<hbm>>) target(%dma_start3A_305 : memref<1x32xf32, #tpu.memory_space<vmem>>) target_semaphore(%arg16 : memref<!tpu.dma_semaphore, #tpu.memory_space<semaphore_mem>>)
        %slice3A_308 = vector.extract_strided_slice %get3A_150 {offsets = [6], sizes = [1], strides = [1]} : vector<16xi32> to vector<1xi32>
        %squeeze3A_309 = vector.extract %slice3A_308[0] : i32 from vector<1xi32>
        %dma_start3A_310 = arith.constant 0 : i32
        %dma_start3A_311 = tpu.memref_slice %arg11[%add3A_297, %dma_start3A_310] : memref<128x32xf32, #tpu.memory_space<vmem>> -> memref<1x32xf32, #tpu.memory_space<vmem>>
        %dma_start3A_312 = arith.constant 0 : i32
        %dma_start3A_313 = tpu.memref_slice %arg6[%squeeze3A_309, %dma_start3A_312] : memref<1000000x32xf32, #tpu.memory_space<hbm>> -> memref<1x32xf32, #tpu.memory_space<hbm>>
        %dma_start3A_314 = arith.constant 0 : i32
        %dma_start3A_315 = tpu.memref_slice %arg11[%add3A_297, %dma_start3A_314] : memref<128x32xf32, #tpu.memory_space<vmem>> -> memref<1x32xf32, #tpu.memory_space<vmem>>
        %dma_start3A_316 = arith.constant 0 : i32
        %dma_start3A_317 = tpu.memref_slice %arg6[%squeeze3A_309, %dma_start3A_316] : memref<1000000x32xf32, #tpu.memory_space<hbm>> -> memref<1x32xf32, #tpu.memory_space<hbm>>
        tpu.enqueue_dma source(%dma_start3A_317 : memref<1x32xf32, #tpu.memory_space<hbm>>) target(%dma_start3A_315 : memref<1x32xf32, #tpu.memory_space<vmem>>) target_semaphore(%arg20 : memref<!tpu.dma_semaphore, #tpu.memory_space<semaphore_mem>>)
        %mul3A_318 = arith.constant 16 : i32
        %mul3A_319 = arith.muli %scan3A_140, %mul3A_318 : i32
        %add3A_320 = arith.constant 7 : i32
        %add3A_321 = arith.addi %mul3A_319, %add3A_320 : i32
        %slice3A_322 = vector.extract_strided_slice %get3A_147 {offsets = [7], sizes = [1], strides = [1]} : vector<16xi32> to vector<1xi32>
        %squeeze3A_323 = vector.extract %slice3A_322[0] : i32 from vector<1xi32>
        %dma_start3A_324 = arith.constant 0 : i32
        %dma_start3A_325 = tpu.memref_slice %arg10[%add3A_321, %dma_start3A_324] : memref<128x32xf32, #tpu.memory_space<vmem>> -> memref<1x32xf32, #tpu.memory_space<vmem>>
        %dma_start3A_326 = arith.constant 0 : i32
        %dma_start3A_327 = tpu.memref_slice %arg5[%squeeze3A_323, %dma_start3A_326] : memref<1000000x32xf32, #tpu.memory_space<hbm>> -> memref<1x32xf32, #tpu.memory_space<hbm>>
        %dma_start3A_328 = arith.constant 0 : i32
        %dma_start3A_329 = tpu.memref_slice %arg10[%add3A_321, %dma_start3A_328] : memref<128x32xf32, #tpu.memory_space<vmem>> -> memref<1x32xf32, #tpu.memory_space<vmem>>
        %dma_start3A_330 = arith.constant 0 : i32
        %dma_start3A_331 = tpu.memref_slice %arg5[%squeeze3A_323, %dma_start3A_330] : memref<1000000x32xf32, #tpu.memory_space<hbm>> -> memref<1x32xf32, #tpu.memory_space<hbm>>
        tpu.enqueue_dma source(%dma_start3A_331 : memref<1x32xf32, #tpu.memory_space<hbm>>) target(%dma_start3A_329 : memref<1x32xf32, #tpu.memory_space<vmem>>) target_semaphore(%arg17 : memref<!tpu.dma_semaphore, #tpu.memory_space<semaphore_mem>>)
        %slice3A_332 = vector.extract_strided_slice %get3A_150 {offsets = [7], sizes = [1], strides = [1]} : vector<16xi32> to vector<1xi32>
        %squeeze3A_333 = vector.extract %slice3A_332[0] : i32 from vector<1xi32>
        %dma_start3A_334 = arith.constant 0 : i32
        %dma_start3A_335 = tpu.memref_slice %arg11[%add3A_321, %dma_start3A_334] : memref<128x32xf32, #tpu.memory_space<vmem>> -> memref<1x32xf32, #tpu.memory_space<vmem>>
        %dma_start3A_336 = arith.constant 0 : i32
        %dma_start3A_337 = tpu.memref_slice %arg6[%squeeze3A_333, %dma_start3A_336] : memref<1000000x32xf32, #tpu.memory_space<hbm>> -> memref<1x32xf32, #tpu.memory_space<hbm>>
        %dma_start3A_338 = arith.constant 0 : i32
        %dma_start3A_339 = tpu.memref_slice %arg11[%add3A_321, %dma_start3A_338] : memref<128x32xf32, #tpu.memory_space<vmem>> -> memref<1x32xf32, #tpu.memory_space<vmem>>
        %dma_start3A_340 = arith.constant 0 : i32
        %dma_start3A_341 = tpu.memref_slice %arg6[%squeeze3A_333, %dma_start3A_340] : memref<1000000x32xf32, #tpu.memory_space<hbm>> -> memref<1x32xf32, #tpu.memory_space<hbm>>
        tpu.enqueue_dma source(%dma_start3A_341 : memref<1x32xf32, #tpu.memory_space<hbm>>) target(%dma_start3A_339 : memref<1x32xf32, #tpu.memory_space<vmem>>) target_semaphore(%arg21 : memref<!tpu.dma_semaphore, #tpu.memory_space<semaphore_mem>>)
        %mul3A_342 = arith.constant 16 : i32
        %mul3A_343 = arith.muli %scan3A_140, %mul3A_342 : i32
        %add3A_344 = arith.constant 8 : i32
        %add3A_345 = arith.addi %mul3A_343, %add3A_344 : i32
        %slice3A_346 = vector.extract_strided_slice %get3A_147 {offsets = [8], sizes = [1], strides = [1]} : vector<16xi32> to vector<1xi32>
        %squeeze3A_347 = vector.extract %slice3A_346[0] : i32 from vector<1xi32>
        %dma_start3A_348 = arith.constant 0 : i32
        %dma_start3A_349 = tpu.memref_slice %arg10[%add3A_345, %dma_start3A_348] : memref<128x32xf32, #tpu.memory_space<vmem>> -> memref<1x32xf32, #tpu.memory_space<vmem>>
        %dma_start3A_350 = arith.constant 0 : i32
        %dma_start3A_351 = tpu.memref_slice %arg5[%squeeze3A_347, %dma_start3A_350] : memref<1000000x32xf32, #tpu.memory_space<hbm>> -> memref<1x32xf32, #tpu.memory_space<hbm>>
        %dma_start3A_352 = arith.constant 0 : i32
        %dma_start3A_353 = tpu.memref_slice %arg10[%add3A_345, %dma_start3A_352] : memref<128x32xf32, #tpu.memory_space<vmem>> -> memref<1x32xf32, #tpu.memory_space<vmem>>
        %dma_start3A_354 = arith.constant 0 : i32
        %dma_start3A_355 = tpu.memref_slice %arg5[%squeeze3A_347, %dma_start3A_354] : memref<1000000x32xf32, #tpu.memory_space<hbm>> -> memref<1x32xf32, #tpu.memory_space<hbm>>
        tpu.enqueue_dma source(%dma_start3A_355 : memref<1x32xf32, #tpu.memory_space<hbm>>) target(%dma_start3A_353 : memref<1x32xf32, #tpu.memory_space<vmem>>) target_semaphore(%arg14 : memref<!tpu.dma_semaphore, #tpu.memory_space<semaphore_mem>>)
        %slice3A_356 = vector.extract_strided_slice %get3A_150 {offsets = [8], sizes = [1], strides = [1]} : vector<16xi32> to vector<1xi32>
        %squeeze3A_357 = vector.extract %slice3A_356[0] : i32 from vector<1xi32>
        %dma_start3A_358 = arith.constant 0 : i32
        %dma_start3A_359 = tpu.memref_slice %arg11[%add3A_345, %dma_start3A_358] : memref<128x32xf32, #tpu.memory_space<vmem>> -> memref<1x32xf32, #tpu.memory_space<vmem>>
        %dma_start3A_360 = arith.constant 0 : i32
        %dma_start3A_361 = tpu.memref_slice %arg6[%squeeze3A_357, %dma_start3A_360] : memref<1000000x32xf32, #tpu.memory_space<hbm>> -> memref<1x32xf32, #tpu.memory_space<hbm>>
        %dma_start3A_362 = arith.constant 0 : i32
        %dma_start3A_363 = tpu.memref_slice %arg11[%add3A_345, %dma_start3A_362] : memref<128x32xf32, #tpu.memory_space<vmem>> -> memref<1x32xf32, #tpu.memory_space<vmem>>
        %dma_start3A_364 = arith.constant 0 : i32
        %dma_start3A_365 = tpu.memref_slice %arg6[%squeeze3A_357, %dma_start3A_364] : memref<1000000x32xf32, #tpu.memory_space<hbm>> -> memref<1x32xf32, #tpu.memory_space<hbm>>
        tpu.enqueue_dma source(%dma_start3A_365 : memref<1x32xf32, #tpu.memory_space<hbm>>) target(%dma_start3A_363 : memref<1x32xf32, #tpu.memory_space<vmem>>) target_semaphore(%arg18 : memref<!tpu.dma_semaphore, #tpu.memory_space<semaphore_mem>>)
        %mul3A_366 = arith.constant 16 : i32
        %mul3A_367 = arith.muli %scan3A_140, %mul3A_366 : i32
        %add3A_368 = arith.constant 9 : i32
        %add3A_369 = arith.addi %mul3A_367, %add3A_368 : i32
        %slice3A_370 = vector.extract_strided_slice %get3A_147 {offsets = [9], sizes = [1], strides = [1]} : vector<16xi32> to vector<1xi32>
        %squeeze3A_371 = vector.extract %slice3A_370[0] : i32 from vector<1xi32>
        %dma_start3A_372 = arith.constant 0 : i32
        %dma_start3A_373 = tpu.memref_slice %arg10[%add3A_369, %dma_start3A_372] : memref<128x32xf32, #tpu.memory_space<vmem>> -> memref<1x32xf32, #tpu.memory_space<vmem>>
        %dma_start3A_374 = arith.constant 0 : i32
        %dma_start3A_375 = tpu.memref_slice %arg5[%squeeze3A_371, %dma_start3A_374] : memref<1000000x32xf32, #tpu.memory_space<hbm>> -> memref<1x32xf32, #tpu.memory_space<hbm>>
        %dma_start3A_376 = arith.constant 0 : i32
        %dma_start3A_377 = tpu.memref_slice %arg10[%add3A_369, %dma_start3A_376] : memref<128x32xf32, #tpu.memory_space<vmem>> -> memref<1x32xf32, #tpu.memory_space<vmem>>
        %dma_start3A_378 = arith.constant 0 : i32
        %dma_start3A_379 = tpu.memref_slice %arg5[%squeeze3A_371, %dma_start3A_378] : memref<1000000x32xf32, #tpu.memory_space<hbm>> -> memref<1x32xf32, #tpu.memory_space<hbm>>
        tpu.enqueue_dma source(%dma_start3A_379 : memref<1x32xf32, #tpu.memory_space<hbm>>) target(%dma_start3A_377 : memref<1x32xf32, #tpu.memory_space<vmem>>) target_semaphore(%arg15 : memref<!tpu.dma_semaphore, #tpu.memory_space<semaphore_mem>>)
        %slice3A_380 = vector.extract_strided_slice %get3A_150 {offsets = [9], sizes = [1], strides = [1]} : vector<16xi32> to vector<1xi32>
        %squeeze3A_381 = vector.extract %slice3A_380[0] : i32 from vector<1xi32>
        %dma_start3A_382 = arith.constant 0 : i32
        %dma_start3A_383 = tpu.memref_slice %arg11[%add3A_369, %dma_start3A_382] : memref<128x32xf32, #tpu.memory_space<vmem>> -> memref<1x32xf32, #tpu.memory_space<vmem>>
        %dma_start3A_384 = arith.constant 0 : i32
        %dma_start3A_385 = tpu.memref_slice %arg6[%squeeze3A_381, %dma_start3A_384] : memref<1000000x32xf32, #tpu.memory_space<hbm>> -> memref<1x32xf32, #tpu.memory_space<hbm>>
        %dma_start3A_386 = arith.constant 0 : i32
        %dma_start3A_387 = tpu.memref_slice %arg11[%add3A_369, %dma_start3A_386] : memref<128x32xf32, #tpu.memory_space<vmem>> -> memref<1x32xf32, #tpu.memory_space<vmem>>
        %dma_start3A_388 = arith.constant 0 : i32
        %dma_start3A_389 = tpu.memref_slice %arg6[%squeeze3A_381, %dma_start3A_388] : memref<1000000x32xf32, #tpu.memory_space<hbm>> -> memref<1x32xf32, #tpu.memory_space<hbm>>
        tpu.enqueue_dma source(%dma_start3A_389 : memref<1x32xf32, #tpu.memory_space<hbm>>) target(%dma_start3A_387 : memref<1x32xf32, #tpu.memory_space<vmem>>) target_semaphore(%arg19 : memref<!tpu.dma_semaphore, #tpu.memory_space<semaphore_mem>>)
        %mul3A_390 = arith.constant 16 : i32
        %mul3A_391 = arith.muli %scan3A_140, %mul3A_390 : i32
        %add3A_392 = arith.constant 10 : i32
        %add3A_393 = arith.addi %mul3A_391, %add3A_392 : i32
        %slice3A_394 = vector.extract_strided_slice %get3A_147 {offsets = [10], sizes = [1], strides = [1]} : vector<16xi32> to vector<1xi32>
        %squeeze3A_395 = vector.extract %slice3A_394[0] : i32 from vector<1xi32>
        %dma_start3A_396 = arith.constant 0 : i32
        %dma_start3A_397 = tpu.memref_slice %arg10[%add3A_393, %dma_start3A_396] : memref<128x32xf32, #tpu.memory_space<vmem>> -> memref<1x32xf32, #tpu.memory_space<vmem>>
        %dma_start3A_398 = arith.constant 0 : i32
        %dma_start3A_399 = tpu.memref_slice %arg5[%squeeze3A_395, %dma_start3A_398] : memref<1000000x32xf32, #tpu.memory_space<hbm>> -> memref<1x32xf32, #tpu.memory_space<hbm>>
        %dma_start3A_400 = arith.constant 0 : i32
        %dma_start3A_401 = tpu.memref_slice %arg10[%add3A_393, %dma_start3A_400] : memref<128x32xf32, #tpu.memory_space<vmem>> -> memref<1x32xf32, #tpu.memory_space<vmem>>
        %dma_start3A_402 = arith.constant 0 : i32
        %dma_start3A_403 = tpu.memref_slice %arg5[%squeeze3A_395, %dma_start3A_402] : memref<1000000x32xf32, #tpu.memory_space<hbm>> -> memref<1x32xf32, #tpu.memory_space<hbm>>
        tpu.enqueue_dma source(%dma_start3A_403 : memref<1x32xf32, #tpu.memory_space<hbm>>) target(%dma_start3A_401 : memref<1x32xf32, #tpu.memory_space<vmem>>) target_semaphore(%arg16 : memref<!tpu.dma_semaphore, #tpu.memory_space<semaphore_mem>>)
        %slice3A_404 = vector.extract_strided_slice %get3A_150 {offsets = [10], sizes = [1], strides = [1]} : vector<16xi32> to vector<1xi32>
        %squeeze3A_405 = vector.extract %slice3A_404[0] : i32 from vector<1xi32>
        %dma_start3A_406 = arith.constant 0 : i32
        %dma_start3A_407 = tpu.memref_slice %arg11[%add3A_393, %dma_start3A_406] : memref<128x32xf32, #tpu.memory_space<vmem>> -> memref<1x32xf32, #tpu.memory_space<vmem>>
        %dma_start3A_408 = arith.constant 0 : i32
        %dma_start3A_409 = tpu.memref_slice %arg6[%squeeze3A_405, %dma_start3A_408] : memref<1000000x32xf32, #tpu.memory_space<hbm>> -> memref<1x32xf32, #tpu.memory_space<hbm>>
        %dma_start3A_410 = arith.constant 0 : i32
        %dma_start3A_411 = tpu.memref_slice %arg11[%add3A_393, %dma_start3A_410] : memref<128x32xf32, #tpu.memory_space<vmem>> -> memref<1x32xf32, #tpu.memory_space<vmem>>
        %dma_start3A_412 = arith.constant 0 : i32
        %dma_start3A_413 = tpu.memref_slice %arg6[%squeeze3A_405, %dma_start3A_412] : memref<1000000x32xf32, #tpu.memory_space<hbm>> -> memref<1x32xf32, #tpu.memory_space<hbm>>
        tpu.enqueue_dma source(%dma_start3A_413 : memref<1x32xf32, #tpu.memory_space<hbm>>) target(%dma_start3A_411 : memref<1x32xf32, #tpu.memory_space<vmem>>) target_semaphore(%arg20 : memref<!tpu.dma_semaphore, #tpu.memory_space<semaphore_mem>>)
        %mul3A_414 = arith.constant 16 : i32
        %mul3A_415 = arith.muli %scan3A_140, %mul3A_414 : i32
        %add3A_416 = arith.constant 11 : i32
        %add3A_417 = arith.addi %mul3A_415, %add3A_416 : i32
        %slice3A_418 = vector.extract_strided_slice %get3A_147 {offsets = [11], sizes = [1], strides = [1]} : vector<16xi32> to vector<1xi32>
        %squeeze3A_419 = vector.extract %slice3A_418[0] : i32 from vector<1xi32>
        %dma_start3A_420 = arith.constant 0 : i32
        %dma_start3A_421 = tpu.memref_slice %arg10[%add3A_417, %dma_start3A_420] : memref<128x32xf32, #tpu.memory_space<vmem>> -> memref<1x32xf32, #tpu.memory_space<vmem>>
        %dma_start3A_422 = arith.constant 0 : i32
        %dma_start3A_423 = tpu.memref_slice %arg5[%squeeze3A_419, %dma_start3A_422] : memref<1000000x32xf32, #tpu.memory_space<hbm>> -> memref<1x32xf32, #tpu.memory_space<hbm>>
        %dma_start3A_424 = arith.constant 0 : i32
        %dma_start3A_425 = tpu.memref_slice %arg10[%add3A_417, %dma_start3A_424] : memref<128x32xf32, #tpu.memory_space<vmem>> -> memref<1x32xf32, #tpu.memory_space<vmem>>
        %dma_start3A_426 = arith.constant 0 : i32
        %dma_start3A_427 = tpu.memref_slice %arg5[%squeeze3A_419, %dma_start3A_426] : memref<1000000x32xf32, #tpu.memory_space<hbm>> -> memref<1x32xf32, #tpu.memory_space<hbm>>
        tpu.enqueue_dma source(%dma_start3A_427 : memref<1x32xf32, #tpu.memory_space<hbm>>) target(%dma_start3A_425 : memref<1x32xf32, #tpu.memory_space<vmem>>) target_semaphore(%arg17 : memref<!tpu.dma_semaphore, #tpu.memory_space<semaphore_mem>>)
        %slice3A_428 = vector.extract_strided_slice %get3A_150 {offsets = [11], sizes = [1], strides = [1]} : vector<16xi32> to vector<1xi32>
        %squeeze3A_429 = vector.extract %slice3A_428[0] : i32 from vector<1xi32>
        %dma_start3A_430 = arith.constant 0 : i32
        %dma_start3A_431 = tpu.memref_slice %arg11[%add3A_417, %dma_start3A_430] : memref<128x32xf32, #tpu.memory_space<vmem>> -> memref<1x32xf32, #tpu.memory_space<vmem>>
        %dma_start3A_432 = arith.constant 0 : i32
        %dma_start3A_433 = tpu.memref_slice %arg6[%squeeze3A_429, %dma_start3A_432] : memref<1000000x32xf32, #tpu.memory_space<hbm>> -> memref<1x32xf32, #tpu.memory_space<hbm>>
        %dma_start3A_434 = arith.constant 0 : i32
        %dma_start3A_435 = tpu.memref_slice %arg11[%add3A_417, %dma_start3A_434] : memref<128x32xf32, #tpu.memory_space<vmem>> -> memref<1x32xf32, #tpu.memory_space<vmem>>
        %dma_start3A_436 = arith.constant 0 : i32
        %dma_start3A_437 = tpu.memref_slice %arg6[%squeeze3A_429, %dma_start3A_436] : memref<1000000x32xf32, #tpu.memory_space<hbm>> -> memref<1x32xf32, #tpu.memory_space<hbm>>
        tpu.enqueue_dma source(%dma_start3A_437 : memref<1x32xf32, #tpu.memory_space<hbm>>) target(%dma_start3A_435 : memref<1x32xf32, #tpu.memory_space<vmem>>) target_semaphore(%arg21 : memref<!tpu.dma_semaphore, #tpu.memory_space<semaphore_mem>>)
        %mul3A_438 = arith.constant 16 : i32
        %mul3A_439 = arith.muli %scan3A_140, %mul3A_438 : i32
        %add3A_440 = arith.constant 12 : i32
        %add3A_441 = arith.addi %mul3A_439, %add3A_440 : i32
        %slice3A_442 = vector.extract_strided_slice %get3A_147 {offsets = [12], sizes = [1], strides = [1]} : vector<16xi32> to vector<1xi32>
        %squeeze3A_443 = vector.extract %slice3A_442[0] : i32 from vector<1xi32>
        %dma_start3A_444 = arith.constant 0 : i32
        %dma_start3A_445 = tpu.memref_slice %arg10[%add3A_441, %dma_start3A_444] : memref<128x32xf32, #tpu.memory_space<vmem>> -> memref<1x32xf32, #tpu.memory_space<vmem>>
        %dma_start3A_446 = arith.constant 0 : i32
        %dma_start3A_447 = tpu.memref_slice %arg5[%squeeze3A_443, %dma_start3A_446] : memref<1000000x32xf32, #tpu.memory_space<hbm>> -> memref<1x32xf32, #tpu.memory_space<hbm>>
        %dma_start3A_448 = arith.constant 0 : i32
        %dma_start3A_449 = tpu.memref_slice %arg10[%add3A_441, %dma_start3A_448] : memref<128x32xf32, #tpu.memory_space<vmem>> -> memref<1x32xf32, #tpu.memory_space<vmem>>
        %dma_start3A_450 = arith.constant 0 : i32
        %dma_start3A_451 = tpu.memref_slice %arg5[%squeeze3A_443, %dma_start3A_450] : memref<1000000x32xf32, #tpu.memory_space<hbm>> -> memref<1x32xf32, #tpu.memory_space<hbm>>
        tpu.enqueue_dma source(%dma_start3A_451 : memref<1x32xf32, #tpu.memory_space<hbm>>) target(%dma_start3A_449 : memref<1x32xf32, #tpu.memory_space<vmem>>) target_semaphore(%arg14 : memref<!tpu.dma_semaphore, #tpu.memory_space<semaphore_mem>>)
        %slice3A_452 = vector.extract_strided_slice %get3A_150 {offsets = [12], sizes = [1], strides = [1]} : vector<16xi32> to vector<1xi32>
        %squeeze3A_453 = vector.extract %slice3A_452[0] : i32 from vector<1xi32>
        %dma_start3A_454 = arith.constant 0 : i32
        %dma_start3A_455 = tpu.memref_slice %arg11[%add3A_441, %dma_start3A_454] : memref<128x32xf32, #tpu.memory_space<vmem>> -> memref<1x32xf32, #tpu.memory_space<vmem>>
        %dma_start3A_456 = arith.constant 0 : i32
        %dma_start3A_457 = tpu.memref_slice %arg6[%squeeze3A_453, %dma_start3A_456] : memref<1000000x32xf32, #tpu.memory_space<hbm>> -> memref<1x32xf32, #tpu.memory_space<hbm>>
        %dma_start3A_458 = arith.constant 0 : i32
        %dma_start3A_459 = tpu.memref_slice %arg11[%add3A_441, %dma_start3A_458] : memref<128x32xf32, #tpu.memory_space<vmem>> -> memref<1x32xf32, #tpu.memory_space<vmem>>
        %dma_start3A_460 = arith.constant 0 : i32
        %dma_start3A_461 = tpu.memref_slice %arg6[%squeeze3A_453, %dma_start3A_460] : memref<1000000x32xf32, #tpu.memory_space<hbm>> -> memref<1x32xf32, #tpu.memory_space<hbm>>
        tpu.enqueue_dma source(%dma_start3A_461 : memref<1x32xf32, #tpu.memory_space<hbm>>) target(%dma_start3A_459 : memref<1x32xf32, #tpu.memory_space<vmem>>) target_semaphore(%arg18 : memref<!tpu.dma_semaphore, #tpu.memory_space<semaphore_mem>>)
        %mul3A_462 = arith.constant 16 : i32
        %mul3A_463 = arith.muli %scan3A_140, %mul3A_462 : i32
        %add3A_464 = arith.constant 13 : i32
        %add3A_465 = arith.addi %mul3A_463, %add3A_464 : i32
        %slice3A_466 = vector.extract_strided_slice %get3A_147 {offsets = [13], sizes = [1], strides = [1]} : vector<16xi32> to vector<1xi32>
        %squeeze3A_467 = vector.extract %slice3A_466[0] : i32 from vector<1xi32>
        %dma_start3A_468 = arith.constant 0 : i32
        %dma_start3A_469 = tpu.memref_slice %arg10[%add3A_465, %dma_start3A_468] : memref<128x32xf32, #tpu.memory_space<vmem>> -> memref<1x32xf32, #tpu.memory_space<vmem>>
        %dma_start3A_470 = arith.constant 0 : i32
        %dma_start3A_471 = tpu.memref_slice %arg5[%squeeze3A_467, %dma_start3A_470] : memref<1000000x32xf32, #tpu.memory_space<hbm>> -> memref<1x32xf32, #tpu.memory_space<hbm>>
        %dma_start3A_472 = arith.constant 0 : i32
        %dma_start3A_473 = tpu.memref_slice %arg10[%add3A_465, %dma_start3A_472] : memref<128x32xf32, #tpu.memory_space<vmem>> -> memref<1x32xf32, #tpu.memory_space<vmem>>
        %dma_start3A_474 = arith.constant 0 : i32
        %dma_start3A_475 = tpu.memref_slice %arg5[%squeeze3A_467, %dma_start3A_474] : memref<1000000x32xf32, #tpu.memory_space<hbm>> -> memref<1x32xf32, #tpu.memory_space<hbm>>
        tpu.enqueue_dma source(%dma_start3A_475 : memref<1x32xf32, #tpu.memory_space<hbm>>) target(%dma_start3A_473 : memref<1x32xf32, #tpu.memory_space<vmem>>) target_semaphore(%arg15 : memref<!tpu.dma_semaphore, #tpu.memory_space<semaphore_mem>>)
        %slice3A_476 = vector.extract_strided_slice %get3A_150 {offsets = [13], sizes = [1], strides = [1]} : vector<16xi32> to vector<1xi32>
        %squeeze3A_477 = vector.extract %slice3A_476[0] : i32 from vector<1xi32>
        %dma_start3A_478 = arith.constant 0 : i32
        %dma_start3A_479 = tpu.memref_slice %arg11[%add3A_465, %dma_start3A_478] : memref<128x32xf32, #tpu.memory_space<vmem>> -> memref<1x32xf32, #tpu.memory_space<vmem>>
        %dma_start3A_480 = arith.constant 0 : i32
        %dma_start3A_481 = tpu.memref_slice %arg6[%squeeze3A_477, %dma_start3A_480] : memref<1000000x32xf32, #tpu.memory_space<hbm>> -> memref<1x32xf32, #tpu.memory_space<hbm>>
        %dma_start3A_482 = arith.constant 0 : i32
        %dma_start3A_483 = tpu.memref_slice %arg11[%add3A_465, %dma_start3A_482] : memref<128x32xf32, #tpu.memory_space<vmem>> -> memref<1x32xf32, #tpu.memory_space<vmem>>
        %dma_start3A_484 = arith.constant 0 : i32
        %dma_start3A_485 = tpu.memref_slice %arg6[%squeeze3A_477, %dma_start3A_484] : memref<1000000x32xf32, #tpu.memory_space<hbm>> -> memref<1x32xf32, #tpu.memory_space<hbm>>
        tpu.enqueue_dma source(%dma_start3A_485 : memref<1x32xf32, #tpu.memory_space<hbm>>) target(%dma_start3A_483 : memref<1x32xf32, #tpu.memory_space<vmem>>) target_semaphore(%arg19 : memref<!tpu.dma_semaphore, #tpu.memory_space<semaphore_mem>>)
        %mul3A_486 = arith.constant 16 : i32
        %mul3A_487 = arith.muli %scan3A_140, %mul3A_486 : i32
        %add3A_488 = arith.constant 14 : i32
        %add3A_489 = arith.addi %mul3A_487, %add3A_488 : i32
        %slice3A_490 = vector.extract_strided_slice %get3A_147 {offsets = [14], sizes = [1], strides = [1]} : vector<16xi32> to vector<1xi32>
        %squeeze3A_491 = vector.extract %slice3A_490[0] : i32 from vector<1xi32>
        %dma_start3A_492 = arith.constant 0 : i32
        %dma_start3A_493 = tpu.memref_slice %arg10[%add3A_489, %dma_start3A_492] : memref<128x32xf32, #tpu.memory_space<vmem>> -> memref<1x32xf32, #tpu.memory_space<vmem>>
        %dma_start3A_494 = arith.constant 0 : i32
        %dma_start3A_495 = tpu.memref_slice %arg5[%squeeze3A_491, %dma_start3A_494] : memref<1000000x32xf32, #tpu.memory_space<hbm>> -> memref<1x32xf32, #tpu.memory_space<hbm>>
        %dma_start3A_496 = arith.constant 0 : i32
        %dma_start3A_497 = tpu.memref_slice %arg10[%add3A_489, %dma_start3A_496] : memref<128x32xf32, #tpu.memory_space<vmem>> -> memref<1x32xf32, #tpu.memory_space<vmem>>
        %dma_start3A_498 = arith.constant 0 : i32
        %dma_start3A_499 = tpu.memref_slice %arg5[%squeeze3A_491, %dma_start3A_498] : memref<1000000x32xf32, #tpu.memory_space<hbm>> -> memref<1x32xf32, #tpu.memory_space<hbm>>
        tpu.enqueue_dma source(%dma_start3A_499 : memref<1x32xf32, #tpu.memory_space<hbm>>) target(%dma_start3A_497 : memref<1x32xf32, #tpu.memory_space<vmem>>) target_semaphore(%arg16 : memref<!tpu.dma_semaphore, #tpu.memory_space<semaphore_mem>>)
        %slice3A_500 = vector.extract_strided_slice %get3A_150 {offsets = [14], sizes = [1], strides = [1]} : vector<16xi32> to vector<1xi32>
        %squeeze3A_501 = vector.extract %slice3A_500[0] : i32 from vector<1xi32>
        %dma_start3A_502 = arith.constant 0 : i32
        %dma_start3A_503 = tpu.memref_slice %arg11[%add3A_489, %dma_start3A_502] : memref<128x32xf32, #tpu.memory_space<vmem>> -> memref<1x32xf32, #tpu.memory_space<vmem>>
        %dma_start3A_504 = arith.constant 0 : i32
        %dma_start3A_505 = tpu.memref_slice %arg6[%squeeze3A_501, %dma_start3A_504] : memref<1000000x32xf32, #tpu.memory_space<hbm>> -> memref<1x32xf32, #tpu.memory_space<hbm>>
        %dma_start3A_506 = arith.constant 0 : i32
        %dma_start3A_507 = tpu.memref_slice %arg11[%add3A_489, %dma_start3A_506] : memref<128x32xf32, #tpu.memory_space<vmem>> -> memref<1x32xf32, #tpu.memory_space<vmem>>
        %dma_start3A_508 = arith.constant 0 : i32
        %dma_start3A_509 = tpu.memref_slice %arg6[%squeeze3A_501, %dma_start3A_508] : memref<1000000x32xf32, #tpu.memory_space<hbm>> -> memref<1x32xf32, #tpu.memory_space<hbm>>
        tpu.enqueue_dma source(%dma_start3A_509 : memref<1x32xf32, #tpu.memory_space<hbm>>) target(%dma_start3A_507 : memref<1x32xf32, #tpu.memory_space<vmem>>) target_semaphore(%arg20 : memref<!tpu.dma_semaphore, #tpu.memory_space<semaphore_mem>>)
        %mul3A_510 = arith.constant 16 : i32
        %mul3A_511 = arith.muli %scan3A_140, %mul3A_510 : i32
        %add3A_512 = arith.constant 15 : i32
        %add3A_513 = arith.addi %mul3A_511, %add3A_512 : i32
        %slice3A_514 = vector.extract_strided_slice %get3A_147 {offsets = [15], sizes = [1], strides = [1]} : vector<16xi32> to vector<1xi32>
        %squeeze3A_515 = vector.extract %slice3A_514[0] : i32 from vector<1xi32>
        %dma_start3A_516 = arith.constant 0 : i32
        %dma_start3A_517 = tpu.memref_slice %arg10[%add3A_513, %dma_start3A_516] : memref<128x32xf32, #tpu.memory_space<vmem>> -> memref<1x32xf32, #tpu.memory_space<vmem>>
        %dma_start3A_518 = arith.constant 0 : i32
        %dma_start3A_519 = tpu.memref_slice %arg5[%squeeze3A_515, %dma_start3A_518] : memref<1000000x32xf32, #tpu.memory_space<hbm>> -> memref<1x32xf32, #tpu.memory_space<hbm>>
        %dma_start3A_520 = arith.constant 0 : i32
        %dma_start3A_521 = tpu.memref_slice %arg10[%add3A_513, %dma_start3A_520] : memref<128x32xf32, #tpu.memory_space<vmem>> -> memref<1x32xf32, #tpu.memory_space<vmem>>
        %dma_start3A_522 = arith.constant 0 : i32
        %dma_start3A_523 = tpu.memref_slice %arg5[%squeeze3A_515, %dma_start3A_522] : memref<1000000x32xf32, #tpu.memory_space<hbm>> -> memref<1x32xf32, #tpu.memory_space<hbm>>
        tpu.enqueue_dma source(%dma_start3A_523 : memref<1x32xf32, #tpu.memory_space<hbm>>) target(%dma_start3A_521 : memref<1x32xf32, #tpu.memory_space<vmem>>) target_semaphore(%arg17 : memref<!tpu.dma_semaphore, #tpu.memory_space<semaphore_mem>>)
        %slice3A_524 = vector.extract_strided_slice %get3A_150 {offsets = [15], sizes = [1], strides = [1]} : vector<16xi32> to vector<1xi32>
        %squeeze3A_525 = vector.extract %slice3A_524[0] : i32 from vector<1xi32>
        %dma_start3A_526 = arith.constant 0 : i32
        %dma_start3A_527 = tpu.memref_slice %arg11[%add3A_513, %dma_start3A_526] : memref<128x32xf32, #tpu.memory_space<vmem>> -> memref<1x32xf32, #tpu.memory_space<vmem>>
        %dma_start3A_528 = arith.constant 0 : i32
        %dma_start3A_529 = tpu.memref_slice %arg6[%squeeze3A_525, %dma_start3A_528] : memref<1000000x32xf32, #tpu.memory_space<hbm>> -> memref<1x32xf32, #tpu.memory_space<hbm>>
        %dma_start3A_530 = arith.constant 0 : i32
        %dma_start3A_531 = tpu.memref_slice %arg11[%add3A_513, %dma_start3A_530] : memref<128x32xf32, #tpu.memory_space<vmem>> -> memref<1x32xf32, #tpu.memory_space<vmem>>
        %dma_start3A_532 = arith.constant 0 : i32
        %dma_start3A_533 = tpu.memref_slice %arg6[%squeeze3A_525, %dma_start3A_532] : memref<1000000x32xf32, #tpu.memory_space<hbm>> -> memref<1x32xf32, #tpu.memory_space<hbm>>
        tpu.enqueue_dma source(%dma_start3A_533 : memref<1x32xf32, #tpu.memory_space<hbm>>) target(%dma_start3A_531 : memref<1x32xf32, #tpu.memory_space<vmem>>) target_semaphore(%arg21 : memref<!tpu.dma_semaphore, #tpu.memory_space<semaphore_mem>>)
      }
      %scan3A_38 = arith.constant 8 : i32
      %dma_wait3A = arith.constant 0 : i32
      %dma_wait3A_39 = arith.constant 0 : i32
      %dma_wait3A_40 = tpu.memref_slice %arg10[%dma_wait3A, %dma_wait3A_39] : memref<128x32xf32, #tpu.memory_space<vmem>> -> memref<32x32xf32, #tpu.memory_space<vmem>>
      %dma_wait3A_41 = arith.constant 0 : i32
      %dma_wait3A_42 = arith.constant 0 : i32
      %dma_wait3A_43 = tpu.memref_slice %arg5[%dma_wait3A_41, %dma_wait3A_42] : memref<1000000x32xf32, #tpu.memory_space<hbm>> -> memref<32x32xf32, #tpu.memory_space<hbm>>
      %dma_wait3A_44 = arith.constant 0 : i32
      %dma_wait3A_45 = arith.constant 0 : i32
      %dma_wait3A_46 = tpu.memref_slice %arg10[%dma_wait3A_44, %dma_wait3A_45] : memref<128x32xf32, #tpu.memory_space<vmem>> -> memref<32x32xf32, #tpu.memory_space<vmem>>
      %dma_wait3A_47 = arith.constant 0 : i32
      %dma_wait3A_48 = arith.constant 0 : i32
      %dma_wait3A_49 = tpu.memref_slice %arg5[%dma_wait3A_47, %dma_wait3A_48] : memref<1000000x32xf32, #tpu.memory_space<hbm>> -> memref<32x32xf32, #tpu.memory_space<hbm>>
      tpu.wait_dma2 semaphore(%arg14 : memref<!tpu.dma_semaphore, #tpu.memory_space<semaphore_mem>>) src(%dma_wait3A_49 : memref<32x32xf32, #tpu.memory_space<hbm>>) dst(%dma_wait3A_46 : memref<32x32xf32, #tpu.memory_space<vmem>>)
      %dma_wait3A_50 = arith.constant 0 : i32
      %dma_wait3A_51 = arith.constant 0 : i32
      %dma_wait3A_52 = tpu.memref_slice %arg11[%dma_wait3A_50, %dma_wait3A_51] : memref<128x32xf32, #tpu.memory_space<vmem>> -> memref<32x32xf32, #tpu.memory_space<vmem>>
      %dma_wait3A_53 = arith.constant 0 : i32
      %dma_wait3A_54 = arith.constant 0 : i32
      %dma_wait3A_55 = tpu.memref_slice %arg6[%dma_wait3A_53, %dma_wait3A_54] : memref<1000000x32xf32, #tpu.memory_space<hbm>> -> memref<32x32xf32, #tpu.memory_space<hbm>>
      %dma_wait3A_56 = arith.constant 0 : i32
      %dma_wait3A_57 = arith.constant 0 : i32
      %dma_wait3A_58 = tpu.memref_slice %arg11[%dma_wait3A_56, %dma_wait3A_57] : memref<128x32xf32, #tpu.memory_space<vmem>> -> memref<32x32xf32, #tpu.memory_space<vmem>>
      %dma_wait3A_59 = arith.constant 0 : i32
      %dma_wait3A_60 = arith.constant 0 : i32
      %dma_wait3A_61 = tpu.memref_slice %arg6[%dma_wait3A_59, %dma_wait3A_60] : memref<1000000x32xf32, #tpu.memory_space<hbm>> -> memref<32x32xf32, #tpu.memory_space<hbm>>
      tpu.wait_dma2 semaphore(%arg18 : memref<!tpu.dma_semaphore, #tpu.memory_space<semaphore_mem>>) src(%dma_wait3A_61 : memref<32x32xf32, #tpu.memory_space<hbm>>) dst(%dma_wait3A_58 : memref<32x32xf32, #tpu.memory_space<vmem>>)
      %dma_wait3A_62 = arith.constant 0 : i32
      %dma_wait3A_63 = arith.constant 0 : i32
      %dma_wait3A_64 = tpu.memref_slice %arg10[%dma_wait3A_62, %dma_wait3A_63] : memref<128x32xf32, #tpu.memory_space<vmem>> -> memref<32x32xf32, #tpu.memory_space<vmem>>
      %dma_wait3A_65 = arith.constant 0 : i32
      %dma_wait3A_66 = arith.constant 0 : i32
      %dma_wait3A_67 = tpu.memref_slice %arg5[%dma_wait3A_65, %dma_wait3A_66] : memref<1000000x32xf32, #tpu.memory_space<hbm>> -> memref<32x32xf32, #tpu.memory_space<hbm>>
      %dma_wait3A_68 = arith.constant 0 : i32
      %dma_wait3A_69 = arith.constant 0 : i32
      %dma_wait3A_70 = tpu.memref_slice %arg10[%dma_wait3A_68, %dma_wait3A_69] : memref<128x32xf32, #tpu.memory_space<vmem>> -> memref<32x32xf32, #tpu.memory_space<vmem>>
      %dma_wait3A_71 = arith.constant 0 : i32
      %dma_wait3A_72 = arith.constant 0 : i32
      %dma_wait3A_73 = tpu.memref_slice %arg5[%dma_wait3A_71, %dma_wait3A_72] : memref<1000000x32xf32, #tpu.memory_space<hbm>> -> memref<32x32xf32, #tpu.memory_space<hbm>>
      tpu.wait_dma2 semaphore(%arg15 : memref<!tpu.dma_semaphore, #tpu.memory_space<semaphore_mem>>) src(%dma_wait3A_73 : memref<32x32xf32, #tpu.memory_space<hbm>>) dst(%dma_wait3A_70 : memref<32x32xf32, #tpu.memory_space<vmem>>)
      %dma_wait3A_74 = arith.constant 0 : i32
      %dma_wait3A_75 = arith.constant 0 : i32
      %dma_wait3A_76 = tpu.memref_slice %arg11[%dma_wait3A_74, %dma_wait3A_75] : memref<128x32xf32, #tpu.memory_space<vmem>> -> memref<32x32xf32, #tpu.memory_space<vmem>>
      %dma_wait3A_77 = arith.constant 0 : i32
      %dma_wait3A_78 = arith.constant 0 : i32
      %dma_wait3A_79 = tpu.memref_slice %arg6[%dma_wait3A_77, %dma_wait3A_78] : memref<1000000x32xf32, #tpu.memory_space<hbm>> -> memref<32x32xf32, #tpu.memory_space<hbm>>
      %dma_wait3A_80 = arith.constant 0 : i32
      %dma_wait3A_81 = arith.constant 0 : i32
      %dma_wait3A_82 = tpu.memref_slice %arg11[%dma_wait3A_80, %dma_wait3A_81] : memref<128x32xf32, #tpu.memory_space<vmem>> -> memref<32x32xf32, #tpu.memory_space<vmem>>
      %dma_wait3A_83 = arith.constant 0 : i32
      %dma_wait3A_84 = arith.constant 0 : i32
      %dma_wait3A_85 = tpu.memref_slice %arg6[%dma_wait3A_83, %dma_wait3A_84] : memref<1000000x32xf32, #tpu.memory_space<hbm>> -> memref<32x32xf32, #tpu.memory_space<hbm>>
      tpu.wait_dma2 semaphore(%arg19 : memref<!tpu.dma_semaphore, #tpu.memory_space<semaphore_mem>>) src(%dma_wait3A_85 : memref<32x32xf32, #tpu.memory_space<hbm>>) dst(%dma_wait3A_82 : memref<32x32xf32, #tpu.memory_space<vmem>>)
      %dma_wait3A_86 = arith.constant 0 : i32
      %dma_wait3A_87 = arith.constant 0 : i32
      %dma_wait3A_88 = tpu.memref_slice %arg10[%dma_wait3A_86, %dma_wait3A_87] : memref<128x32xf32, #tpu.memory_space<vmem>> -> memref<32x32xf32, #tpu.memory_space<vmem>>
      %dma_wait3A_89 = arith.constant 0 : i32
      %dma_wait3A_90 = arith.constant 0 : i32
      %dma_wait3A_91 = tpu.memref_slice %arg5[%dma_wait3A_89, %dma_wait3A_90] : memref<1000000x32xf32, #tpu.memory_space<hbm>> -> memref<32x32xf32, #tpu.memory_space<hbm>>
      %dma_wait3A_92 = arith.constant 0 : i32
      %dma_wait3A_93 = arith.constant 0 : i32
      %dma_wait3A_94 = tpu.memref_slice %arg10[%dma_wait3A_92, %dma_wait3A_93] : memref<128x32xf32, #tpu.memory_space<vmem>> -> memref<32x32xf32, #tpu.memory_space<vmem>>
      %dma_wait3A_95 = arith.constant 0 : i32
      %dma_wait3A_96 = arith.constant 0 : i32
      %dma_wait3A_97 = tpu.memref_slice %arg5[%dma_wait3A_95, %dma_wait3A_96] : memref<1000000x32xf32, #tpu.memory_space<hbm>> -> memref<32x32xf32, #tpu.memory_space<hbm>>
      tpu.wait_dma2 semaphore(%arg16 : memref<!tpu.dma_semaphore, #tpu.memory_space<semaphore_mem>>) src(%dma_wait3A_97 : memref<32x32xf32, #tpu.memory_space<hbm>>) dst(%dma_wait3A_94 : memref<32x32xf32, #tpu.memory_space<vmem>>)
      %dma_wait3A_98 = arith.constant 0 : i32
      %dma_wait3A_99 = arith.constant 0 : i32
      %dma_wait3A_100 = tpu.memref_slice %arg11[%dma_wait3A_98, %dma_wait3A_99] : memref<128x32xf32, #tpu.memory_space<vmem>> -> memref<32x32xf32, #tpu.memory_space<vmem>>
      %dma_wait3A_101 = arith.constant 0 : i32
      %dma_wait3A_102 = arith.constant 0 : i32
      %dma_wait3A_103 = tpu.memref_slice %arg6[%dma_wait3A_101, %dma_wait3A_102] : memref<1000000x32xf32, #tpu.memory_space<hbm>> -> memref<32x32xf32, #tpu.memory_space<hbm>>
      %dma_wait3A_104 = arith.constant 0 : i32
      %dma_wait3A_105 = arith.constant 0 : i32
      %dma_wait3A_106 = tpu.memref_slice %arg11[%dma_wait3A_104, %dma_wait3A_105] : memref<128x32xf32, #tpu.memory_space<vmem>> -> memref<32x32xf32, #tpu.memory_space<vmem>>
      %dma_wait3A_107 = arith.constant 0 : i32
      %dma_wait3A_108 = arith.constant 0 : i32
      %dma_wait3A_109 = tpu.memref_slice %arg6[%dma_wait3A_107, %dma_wait3A_108] : memref<1000000x32xf32, #tpu.memory_space<hbm>> -> memref<32x32xf32, #tpu.memory_space<hbm>>
      tpu.wait_dma2 semaphore(%arg20 : memref<!tpu.dma_semaphore, #tpu.memory_space<semaphore_mem>>) src(%dma_wait3A_109 : memref<32x32xf32, #tpu.memory_space<hbm>>) dst(%dma_wait3A_106 : memref<32x32xf32, #tpu.memory_space<vmem>>)
      %dma_wait3A_110 = arith.constant 0 : i32
      %dma_wait3A_111 = arith.constant 0 : i32
      %dma_wait3A_112 = tpu.memref_slice %arg10[%dma_wait3A_110, %dma_wait3A_111] : memref<128x32xf32, #tpu.memory_space<vmem>> -> memref<32x32xf32, #tpu.memory_space<vmem>>
      %dma_wait3A_113 = arith.constant 0 : i32
      %dma_wait3A_114 = arith.constant 0 : i32
      %dma_wait3A_115 = tpu.memref_slice %arg5[%dma_wait3A_113, %dma_wait3A_114] : memref<1000000x32xf32, #tpu.memory_space<hbm>> -> memref<32x32xf32, #tpu.memory_space<hbm>>
      %dma_wait3A_116 = arith.constant 0 : i32
      %dma_wait3A_117 = arith.constant 0 : i32
      %dma_wait3A_118 = tpu.memref_slice %arg10[%dma_wait3A_116, %dma_wait3A_117] : memref<128x32xf32, #tpu.memory_space<vmem>> -> memref<32x32xf32, #tpu.memory_space<vmem>>
      %dma_wait3A_119 = arith.constant 0 : i32
      %dma_wait3A_120 = arith.constant 0 : i32
      %dma_wait3A_121 = tpu.memref_slice %arg5[%dma_wait3A_119, %dma_wait3A_120] : memref<1000000x32xf32, #tpu.memory_space<hbm>> -> memref<32x32xf32, #tpu.memory_space<hbm>>
      tpu.wait_dma2 semaphore(%arg17 : memref<!tpu.dma_semaphore, #tpu.memory_space<semaphore_mem>>) src(%dma_wait3A_121 : memref<32x32xf32, #tpu.memory_space<hbm>>) dst(%dma_wait3A_118 : memref<32x32xf32, #tpu.memory_space<vmem>>)
      %dma_wait3A_122 = arith.constant 0 : i32
      %dma_wait3A_123 = arith.constant 0 : i32
      %dma_wait3A_124 = tpu.memref_slice %arg11[%dma_wait3A_122, %dma_wait3A_123] : memref<128x32xf32, #tpu.memory_space<vmem>> -> memref<32x32xf32, #tpu.memory_space<vmem>>
      %dma_wait3A_125 = arith.constant 0 : i32
      %dma_wait3A_126 = arith.constant 0 : i32
      %dma_wait3A_127 = tpu.memref_slice %arg6[%dma_wait3A_125, %dma_wait3A_126] : memref<1000000x32xf32, #tpu.memory_space<hbm>> -> memref<32x32xf32, #tpu.memory_space<hbm>>
      %dma_wait3A_128 = arith.constant 0 : i32
      %dma_wait3A_129 = arith.constant 0 : i32
      %dma_wait3A_130 = tpu.memref_slice %arg11[%dma_wait3A_128, %dma_wait3A_129] : memref<128x32xf32, #tpu.memory_space<vmem>> -> memref<32x32xf32, #tpu.memory_space<vmem>>
      %dma_wait3A_131 = arith.constant 0 : i32
      %dma_wait3A_132 = arith.constant 0 : i32
      %dma_wait3A_133 = tpu.memref_slice %arg6[%dma_wait3A_131, %dma_wait3A_132] : memref<1000000x32xf32, #tpu.memory_space<hbm>> -> memref<32x32xf32, #tpu.memory_space<hbm>>
      tpu.wait_dma2 semaphore(%arg21 : memref<!tpu.dma_semaphore, #tpu.memory_space<semaphore_mem>>) src(%dma_wait3A_133 : memref<32x32xf32, #tpu.memory_space<hbm>>) dst(%dma_wait3A_130 : memref<32x32xf32, #tpu.memory_space<vmem>>)
      %scan3A_134 = arith.constant 0 : i32
      %scan3A_135 = arith.constant 0 : i32
      %scan3A_136 = arith.constant 8 : i32
      %scan3A_137 = arith.addi %scan3A_135, %scan3A_136 : i32
      %scan3A_138 = arith.constant 1 : i32
      scf.for %scan3A_140 = %scan3A_135 to %scan3A_137 step %scan3A_138  : i32 {
        %mul3A_141 = arith.constant 16 : i32
        %mul3A_142 = arith.muli %scan3A_140, %mul3A_141 : i32
        %add3A_143 = arith.constant 0 : i32
        %add3A_144 = arith.addi %mul3A_142, %add3A_143 : i32
        %get3A_145 = arith.index_cast %add3A_144 : i32 to index
        %get3A_146 = arith.constant 0 : index
        %get3A_147 = tpu.vector_load %arg10[%get3A_145, %get3A_146] {strides = array<i32>} : memref<128x32xf32, #tpu.memory_space<vmem>>, vector<1x16xf32>,
        %get3A_148 = vector.shape_cast %get3A_147 : vector<1x16xf32> to vector<16xf32>
        %get3A_149 = arith.index_cast %add3A_144 : i32 to index
        %get3A_150 = arith.constant 16 : index
        %get3A_151 = tpu.vector_load %arg10[%get3A_149, %get3A_150] {strides = array<i32>} : memref<128x32xf32, #tpu.memory_space<vmem>>, vector<1x16xf32>,
        %get3A_152 = vector.shape_cast %get3A_151 : vector<1x16xf32> to vector<16xf32>
        %get3A_153 = arith.index_cast %add3A_144 : i32 to index
        %get3A_154 = arith.constant 0 : index
        %get3A_155 = tpu.vector_load %arg11[%get3A_153, %get3A_154] {strides = array<i32>} : memref<128x32xf32, #tpu.memory_space<vmem>>, vector<1x16xf32>,
        %get3A_156 = vector.shape_cast %get3A_155 : vector<1x16xf32> to vector<16xf32>
        %get3A_157 = arith.index_cast %add3A_144 : i32 to index
        %get3A_158 = arith.constant 16 : index
        %get3A_159 = tpu.vector_load %arg11[%get3A_157, %get3A_158] {strides = array<i32>} : memref<128x32xf32, #tpu.memory_space<vmem>>, vector<1x16xf32>,
        %get3A_160 = vector.shape_cast %get3A_159 : vector<1x16xf32> to vector<16xf32>
        %mul3A_161 = arith.mulf %get3A_148, %get3A_156 : vector<16xf32>
        %mul3A_162 = arith.mulf %mul3A_161, %get3A_4 : vector<16xf32>
        %mul3A_163 = arith.mulf %get3A_152, %get3A_160 : vector<16xf32>
        %mul3A_164 = arith.mulf %mul3A_163, %get3A_7 : vector<16xf32>
        %add3A_165 = arith.addf %mul3A_162, %mul3A_164 : vector<16xf32>
        %mul3A_166 = arith.constant 16 : i32
        %mul3A_167 = arith.muli %scan3A_140, %mul3A_166 : i32
        %add3A_168 = arith.constant 1 : i32
        %add3A_169 = arith.addi %mul3A_167, %add3A_168 : i32
        %get3A_170 = arith.index_cast %add3A_169 : i32 to index
        %get3A_171 = arith.constant 0 : index
        %get3A_172 = tpu.vector_load %arg10[%get3A_170, %get3A_171] {strides = array<i32>} : memref<128x32xf32, #tpu.memory_space<vmem>>, vector<1x16xf32>,
        %get3A_173 = vector.shape_cast %get3A_172 : vector<1x16xf32> to vector<16xf32>
        %get3A_174 = arith.index_cast %add3A_169 : i32 to index
        %get3A_175 = arith.constant 16 : index
        %get3A_176 = tpu.vector_load %arg10[%get3A_174, %get3A_175] {strides = array<i32>} : memref<128x32xf32, #tpu.memory_space<vmem>>, vector<1x16xf32>,
        %get3A_177 = vector.shape_cast %get3A_176 : vector<1x16xf32> to vector<16xf32>
        %get3A_178 = arith.index_cast %add3A_169 : i32 to index
        %get3A_179 = arith.constant 0 : index
        %get3A_180 = tpu.vector_load %arg11[%get3A_178, %get3A_179] {strides = array<i32>} : memref<128x32xf32, #tpu.memory_space<vmem>>, vector<1x16xf32>,
        %get3A_181 = vector.shape_cast %get3A_180 : vector<1x16xf32> to vector<16xf32>
        %get3A_182 = arith.index_cast %add3A_169 : i32 to index
        %get3A_183 = arith.constant 16 : index
        %get3A_184 = tpu.vector_load %arg11[%get3A_182, %get3A_183] {strides = array<i32>} : memref<128x32xf32, #tpu.memory_space<vmem>>, vector<1x16xf32>,
        %get3A_185 = vector.shape_cast %get3A_184 : vector<1x16xf32> to vector<16xf32>
        %mul3A_186 = arith.mulf %get3A_173, %get3A_181 : vector<16xf32>
        %mul3A_187 = arith.mulf %mul3A_186, %get3A_4 : vector<16xf32>
        %mul3A_188 = arith.mulf %get3A_177, %get3A_185 : vector<16xf32>
        %mul3A_189 = arith.mulf %mul3A_188, %get3A_7 : vector<16xf32>
        %add3A_190 = arith.addf %mul3A_187, %mul3A_189 : vector<16xf32>
        %mul3A_191 = arith.constant 16 : i32
        %mul3A_192 = arith.muli %scan3A_140, %mul3A_191 : i32
        %add3A_193 = arith.constant 2 : i32
        %add3A_194 = arith.addi %mul3A_192, %add3A_193 : i32
        %get3A_195 = arith.index_cast %add3A_194 : i32 to index
        %get3A_196 = arith.constant 0 : index
        %get3A_197 = tpu.vector_load %arg10[%get3A_195, %get3A_196] {strides = array<i32>} : memref<128x32xf32, #tpu.memory_space<vmem>>, vector<1x16xf32>,
        %get3A_198 = vector.shape_cast %get3A_197 : vector<1x16xf32> to vector<16xf32>
        %get3A_199 = arith.index_cast %add3A_194 : i32 to index
        %get3A_200 = arith.constant 16 : index
        %get3A_201 = tpu.vector_load %arg10[%get3A_199, %get3A_200] {strides = array<i32>} : memref<128x32xf32, #tpu.memory_space<vmem>>, vector<1x16xf32>,
        %get3A_202 = vector.shape_cast %get3A_201 : vector<1x16xf32> to vector<16xf32>
        %get3A_203 = arith.index_cast %add3A_194 : i32 to index
        %get3A_204 = arith.constant 0 : index
        %get3A_205 = tpu.vector_load %arg11[%get3A_203, %get3A_204] {strides = array<i32>} : memref<128x32xf32, #tpu.memory_space<vmem>>, vector<1x16xf32>,
        %get3A_206 = vector.shape_cast %get3A_205 : vector<1x16xf32> to vector<16xf32>
        %get3A_207 = arith.index_cast %add3A_194 : i32 to index
        %get3A_208 = arith.constant 16 : index
        %get3A_209 = tpu.vector_load %arg11[%get3A_207, %get3A_208] {strides = array<i32>} : memref<128x32xf32, #tpu.memory_space<vmem>>, vector<1x16xf32>,
        %get3A_210 = vector.shape_cast %get3A_209 : vector<1x16xf32> to vector<16xf32>
        %mul3A_211 = arith.mulf %get3A_198, %get3A_206 : vector<16xf32>
        %mul3A_212 = arith.mulf %mul3A_211, %get3A_4 : vector<16xf32>
        %mul3A_213 = arith.mulf %get3A_202, %get3A_210 : vector<16xf32>
        %mul3A_214 = arith.mulf %mul3A_213, %get3A_7 : vector<16xf32>
        %add3A_215 = arith.addf %mul3A_212, %mul3A_214 : vector<16xf32>
        %mul3A_216 = arith.constant 16 : i32
        %mul3A_217 = arith.muli %scan3A_140, %mul3A_216 : i32
        %add3A_218 = arith.constant 3 : i32
        %add3A_219 = arith.addi %mul3A_217, %add3A_218 : i32
        %get3A_220 = arith.index_cast %add3A_219 : i32 to index
        %get3A_221 = arith.constant 0 : index
        %get3A_222 = tpu.vector_load %arg10[%get3A_220, %get3A_221] {strides = array<i32>} : memref<128x32xf32, #tpu.memory_space<vmem>>, vector<1x16xf32>,
        %get3A_223 = vector.shape_cast %get3A_222 : vector<1x16xf32> to vector<16xf32>
        %get3A_224 = arith.index_cast %add3A_219 : i32 to index
        %get3A_225 = arith.constant 16 : index
        %get3A_226 = tpu.vector_load %arg10[%get3A_224, %get3A_225] {strides = array<i32>} : memref<128x32xf32, #tpu.memory_space<vmem>>, vector<1x16xf32>,
        %get3A_227 = vector.shape_cast %get3A_226 : vector<1x16xf32> to vector<16xf32>
        %get3A_228 = arith.index_cast %add3A_219 : i32 to index
        %get3A_229 = arith.constant 0 : index
        %get3A_230 = tpu.vector_load %arg11[%get3A_228, %get3A_229] {strides = array<i32>} : memref<128x32xf32, #tpu.memory_space<vmem>>, vector<1x16xf32>,
        %get3A_231 = vector.shape_cast %get3A_230 : vector<1x16xf32> to vector<16xf32>
        %get3A_232 = arith.index_cast %add3A_219 : i32 to index
        %get3A_233 = arith.constant 16 : index
        %get3A_234 = tpu.vector_load %arg11[%get3A_232, %get3A_233] {strides = array<i32>} : memref<128x32xf32, #tpu.memory_space<vmem>>, vector<1x16xf32>,
        %get3A_235 = vector.shape_cast %get3A_234 : vector<1x16xf32> to vector<16xf32>
        %mul3A_236 = arith.mulf %get3A_223, %get3A_231 : vector<16xf32>
        %mul3A_237 = arith.mulf %mul3A_236, %get3A_4 : vector<16xf32>
        %mul3A_238 = arith.mulf %get3A_227, %get3A_235 : vector<16xf32>
        %mul3A_239 = arith.mulf %mul3A_238, %get3A_7 : vector<16xf32>
        %add3A_240 = arith.addf %mul3A_237, %mul3A_239 : vector<16xf32>
        %mul3A_241 = arith.constant 16 : i32
        %mul3A_242 = arith.muli %scan3A_140, %mul3A_241 : i32
        %add3A_243 = arith.constant 4 : i32
        %add3A_244 = arith.addi %mul3A_242, %add3A_243 : i32
        %get3A_245 = arith.index_cast %add3A_244 : i32 to index
        %get3A_246 = arith.constant 0 : index
        %get3A_247 = tpu.vector_load %arg10[%get3A_245, %get3A_246] {strides = array<i32>} : memref<128x32xf32, #tpu.memory_space<vmem>>, vector<1x16xf32>,
        %get3A_248 = vector.shape_cast %get3A_247 : vector<1x16xf32> to vector<16xf32>
        %get3A_249 = arith.index_cast %add3A_244 : i32 to index
        %get3A_250 = arith.constant 16 : index
        %get3A_251 = tpu.vector_load %arg10[%get3A_249, %get3A_250] {strides = array<i32>} : memref<128x32xf32, #tpu.memory_space<vmem>>, vector<1x16xf32>,
        %get3A_252 = vector.shape_cast %get3A_251 : vector<1x16xf32> to vector<16xf32>
        %get3A_253 = arith.index_cast %add3A_244 : i32 to index
        %get3A_254 = arith.constant 0 : index
        %get3A_255 = tpu.vector_load %arg11[%get3A_253, %get3A_254] {strides = array<i32>} : memref<128x32xf32, #tpu.memory_space<vmem>>, vector<1x16xf32>,
        %get3A_256 = vector.shape_cast %get3A_255 : vector<1x16xf32> to vector<16xf32>
        %get3A_257 = arith.index_cast %add3A_244 : i32 to index
        %get3A_258 = arith.constant 16 : index
        %get3A_259 = tpu.vector_load %arg11[%get3A_257, %get3A_258] {strides = array<i32>} : memref<128x32xf32, #tpu.memory_space<vmem>>, vector<1x16xf32>,
        %get3A_260 = vector.shape_cast %get3A_259 : vector<1x16xf32> to vector<16xf32>
        %mul3A_261 = arith.mulf %get3A_248, %get3A_256 : vector<16xf32>
        %mul3A_262 = arith.mulf %mul3A_261, %get3A_4 : vector<16xf32>
        %mul3A_263 = arith.mulf %get3A_252, %get3A_260 : vector<16xf32>
        %mul3A_264 = arith.mulf %mul3A_263, %get3A_7 : vector<16xf32>
        %add3A_265 = arith.addf %mul3A_262, %mul3A_264 : vector<16xf32>
        %mul3A_266 = arith.constant 16 : i32
        %mul3A_267 = arith.muli %scan3A_140, %mul3A_266 : i32
        %add3A_268 = arith.constant 5 : i32
        %add3A_269 = arith.addi %mul3A_267, %add3A_268 : i32
        %get3A_270 = arith.index_cast %add3A_269 : i32 to index
        %get3A_271 = arith.constant 0 : index
        %get3A_272 = tpu.vector_load %arg10[%get3A_270, %get3A_271] {strides = array<i32>} : memref<128x32xf32, #tpu.memory_space<vmem>>, vector<1x16xf32>,
        %get3A_273 = vector.shape_cast %get3A_272 : vector<1x16xf32> to vector<16xf32>
        %get3A_274 = arith.index_cast %add3A_269 : i32 to index
        %get3A_275 = arith.constant 16 : index
        %get3A_276 = tpu.vector_load %arg10[%get3A_274, %get3A_275] {strides = array<i32>} : memref<128x32xf32, #tpu.memory_space<vmem>>, vector<1x16xf32>,
        %get3A_277 = vector.shape_cast %get3A_276 : vector<1x16xf32> to vector<16xf32>
        %get3A_278 = arith.index_cast %add3A_269 : i32 to index
        %get3A_279 = arith.constant 0 : index
        %get3A_280 = tpu.vector_load %arg11[%get3A_278, %get3A_279] {strides = array<i32>} : memref<128x32xf32, #tpu.memory_space<vmem>>, vector<1x16xf32>,
        %get3A_281 = vector.shape_cast %get3A_280 : vector<1x16xf32> to vector<16xf32>
        %get3A_282 = arith.index_cast %add3A_269 : i32 to index
        %get3A_283 = arith.constant 16 : index
        %get3A_284 = tpu.vector_load %arg11[%get3A_282, %get3A_283] {strides = array<i32>} : memref<128x32xf32, #tpu.memory_space<vmem>>, vector<1x16xf32>,
        %get3A_285 = vector.shape_cast %get3A_284 : vector<1x16xf32> to vector<16xf32>
        %mul3A_286 = arith.mulf %get3A_273, %get3A_281 : vector<16xf32>
        %mul3A_287 = arith.mulf %mul3A_286, %get3A_4 : vector<16xf32>
        %mul3A_288 = arith.mulf %get3A_277, %get3A_285 : vector<16xf32>
        %mul3A_289 = arith.mulf %mul3A_288, %get3A_7 : vector<16xf32>
        %add3A_290 = arith.addf %mul3A_287, %mul3A_289 : vector<16xf32>
        %mul3A_291 = arith.constant 16 : i32
        %mul3A_292 = arith.muli %scan3A_140, %mul3A_291 : i32
        %add3A_293 = arith.constant 6 : i32
        %add3A_294 = arith.addi %mul3A_292, %add3A_293 : i32
        %get3A_295 = arith.index_cast %add3A_294 : i32 to index
        %get3A_296 = arith.constant 0 : index
        %get3A_297 = tpu.vector_load %arg10[%get3A_295, %get3A_296] {strides = array<i32>} : memref<128x32xf32, #tpu.memory_space<vmem>>, vector<1x16xf32>,
        %get3A_298 = vector.shape_cast %get3A_297 : vector<1x16xf32> to vector<16xf32>
        %get3A_299 = arith.index_cast %add3A_294 : i32 to index
        %get3A_300 = arith.constant 16 : index
        %get3A_301 = tpu.vector_load %arg10[%get3A_299, %get3A_300] {strides = array<i32>} : memref<128x32xf32, #tpu.memory_space<vmem>>, vector<1x16xf32>,
        %get3A_302 = vector.shape_cast %get3A_301 : vector<1x16xf32> to vector<16xf32>
        %get3A_303 = arith.index_cast %add3A_294 : i32 to index
        %get3A_304 = arith.constant 0 : index
        %get3A_305 = tpu.vector_load %arg11[%get3A_303, %get3A_304] {strides = array<i32>} : memref<128x32xf32, #tpu.memory_space<vmem>>, vector<1x16xf32>,
        %get3A_306 = vector.shape_cast %get3A_305 : vector<1x16xf32> to vector<16xf32>
        %get3A_307 = arith.index_cast %add3A_294 : i32 to index
        %get3A_308 = arith.constant 16 : index
        %get3A_309 = tpu.vector_load %arg11[%get3A_307, %get3A_308] {strides = array<i32>} : memref<128x32xf32, #tpu.memory_space<vmem>>, vector<1x16xf32>,
        %get3A_310 = vector.shape_cast %get3A_309 : vector<1x16xf32> to vector<16xf32>
        %mul3A_311 = arith.mulf %get3A_298, %get3A_306 : vector<16xf32>
        %mul3A_312 = arith.mulf %mul3A_311, %get3A_4 : vector<16xf32>
        %mul3A_313 = arith.mulf %get3A_302, %get3A_310 : vector<16xf32>
        %mul3A_314 = arith.mulf %mul3A_313, %get3A_7 : vector<16xf32>
        %add3A_315 = arith.addf %mul3A_312, %mul3A_314 : vector<16xf32>
        %mul3A_316 = arith.constant 16 : i32
        %mul3A_317 = arith.muli %scan3A_140, %mul3A_316 : i32
        %add3A_318 = arith.constant 7 : i32
        %add3A_319 = arith.addi %mul3A_317, %add3A_318 : i32
        %get3A_320 = arith.index_cast %add3A_319 : i32 to index
        %get3A_321 = arith.constant 0 : index
        %get3A_322 = tpu.vector_load %arg10[%get3A_320, %get3A_321] {strides = array<i32>} : memref<128x32xf32, #tpu.memory_space<vmem>>, vector<1x16xf32>,
        %get3A_323 = vector.shape_cast %get3A_322 : vector<1x16xf32> to vector<16xf32>
        %get3A_324 = arith.index_cast %add3A_319 : i32 to index
        %get3A_325 = arith.constant 16 : index
        %get3A_326 = tpu.vector_load %arg10[%get3A_324, %get3A_325] {strides = array<i32>} : memref<128x32xf32, #tpu.memory_space<vmem>>, vector<1x16xf32>,
        %get3A_327 = vector.shape_cast %get3A_326 : vector<1x16xf32> to vector<16xf32>
        %get3A_328 = arith.index_cast %add3A_319 : i32 to index
        %get3A_329 = arith.constant 0 : index
        %get3A_330 = tpu.vector_load %arg11[%get3A_328, %get3A_329] {strides = array<i32>} : memref<128x32xf32, #tpu.memory_space<vmem>>, vector<1x16xf32>,
        %get3A_331 = vector.shape_cast %get3A_330 : vector<1x16xf32> to vector<16xf32>
        %get3A_332 = arith.index_cast %add3A_319 : i32 to index
        %get3A_333 = arith.constant 16 : index
        %get3A_334 = tpu.vector_load %arg11[%get3A_332, %get3A_333] {strides = array<i32>} : memref<128x32xf32, #tpu.memory_space<vmem>>, vector<1x16xf32>,
        %get3A_335 = vector.shape_cast %get3A_334 : vector<1x16xf32> to vector<16xf32>
        %mul3A_336 = arith.mulf %get3A_323, %get3A_331 : vector<16xf32>
        %mul3A_337 = arith.mulf %mul3A_336, %get3A_4 : vector<16xf32>
        %mul3A_338 = arith.mulf %get3A_327, %get3A_335 : vector<16xf32>
        %mul3A_339 = arith.mulf %mul3A_338, %get3A_7 : vector<16xf32>
        %add3A_340 = arith.addf %mul3A_337, %mul3A_339 : vector<16xf32>
        %mul3A_341 = arith.constant 16 : i32
        %mul3A_342 = arith.muli %scan3A_140, %mul3A_341 : i32
        %add3A_343 = arith.constant 8 : i32
        %add3A_344 = arith.addi %mul3A_342, %add3A_343 : i32
        %get3A_345 = arith.index_cast %add3A_344 : i32 to index
        %get3A_346 = arith.constant 0 : index
        %get3A_347 = tpu.vector_load %arg10[%get3A_345, %get3A_346] {strides = array<i32>} : memref<128x32xf32, #tpu.memory_space<vmem>>, vector<1x16xf32>,
        %get3A_348 = vector.shape_cast %get3A_347 : vector<1x16xf32> to vector<16xf32>
        %get3A_349 = arith.index_cast %add3A_344 : i32 to index
        %get3A_350 = arith.constant 16 : index
        %get3A_351 = tpu.vector_load %arg10[%get3A_349, %get3A_350] {strides = array<i32>} : memref<128x32xf32, #tpu.memory_space<vmem>>, vector<1x16xf32>,
        %get3A_352 = vector.shape_cast %get3A_351 : vector<1x16xf32> to vector<16xf32>
        %get3A_353 = arith.index_cast %add3A_344 : i32 to index
        %get3A_354 = arith.constant 0 : index
        %get3A_355 = tpu.vector_load %arg11[%get3A_353, %get3A_354] {strides = array<i32>} : memref<128x32xf32, #tpu.memory_space<vmem>>, vector<1x16xf32>,
        %get3A_356 = vector.shape_cast %get3A_355 : vector<1x16xf32> to vector<16xf32>
        %get3A_357 = arith.index_cast %add3A_344 : i32 to index
        %get3A_358 = arith.constant 16 : index
        %get3A_359 = tpu.vector_load %arg11[%get3A_357, %get3A_358] {strides = array<i32>} : memref<128x32xf32, #tpu.memory_space<vmem>>, vector<1x16xf32>,
        %get3A_360 = vector.shape_cast %get3A_359 : vector<1x16xf32> to vector<16xf32>
        %mul3A_361 = arith.mulf %get3A_348, %get3A_356 : vector<16xf32>
        %mul3A_362 = arith.mulf %mul3A_361, %get3A_4 : vector<16xf32>
        %mul3A_363 = arith.mulf %get3A_352, %get3A_360 : vector<16xf32>
        %mul3A_364 = arith.mulf %mul3A_363, %get3A_7 : vector<16xf32>
        %add3A_365 = arith.addf %mul3A_362, %mul3A_364 : vector<16xf32>
        %mul3A_366 = arith.constant 16 : i32
        %mul3A_367 = arith.muli %scan3A_140, %mul3A_366 : i32
        %add3A_368 = arith.constant 9 : i32
        %add3A_369 = arith.addi %mul3A_367, %add3A_368 : i32
        %get3A_370 = arith.index_cast %add3A_369 : i32 to index
        %get3A_371 = arith.constant 0 : index
        %get3A_372 = tpu.vector_load %arg10[%get3A_370, %get3A_371] {strides = array<i32>} : memref<128x32xf32, #tpu.memory_space<vmem>>, vector<1x16xf32>,
        %get3A_373 = vector.shape_cast %get3A_372 : vector<1x16xf32> to vector<16xf32>
        %get3A_374 = arith.index_cast %add3A_369 : i32 to index
        %get3A_375 = arith.constant 16 : index
        %get3A_376 = tpu.vector_load %arg10[%get3A_374, %get3A_375] {strides = array<i32>} : memref<128x32xf32, #tpu.memory_space<vmem>>, vector<1x16xf32>,
        %get3A_377 = vector.shape_cast %get3A_376 : vector<1x16xf32> to vector<16xf32>
        %get3A_378 = arith.index_cast %add3A_369 : i32 to index
        %get3A_379 = arith.constant 0 : index
        %get3A_380 = tpu.vector_load %arg11[%get3A_378, %get3A_379] {strides = array<i32>} : memref<128x32xf32, #tpu.memory_space<vmem>>, vector<1x16xf32>,
        %get3A_381 = vector.shape_cast %get3A_380 : vector<1x16xf32> to vector<16xf32>
        %get3A_382 = arith.index_cast %add3A_369 : i32 to index
        %get3A_383 = arith.constant 16 : index
        %get3A_384 = tpu.vector_load %arg11[%get3A_382, %get3A_383] {strides = array<i32>} : memref<128x32xf32, #tpu.memory_space<vmem>>, vector<1x16xf32>,
        %get3A_385 = vector.shape_cast %get3A_384 : vector<1x16xf32> to vector<16xf32>
        %mul3A_386 = arith.mulf %get3A_373, %get3A_381 : vector<16xf32>
        %mul3A_387 = arith.mulf %mul3A_386, %get3A_4 : vector<16xf32>
        %mul3A_388 = arith.mulf %get3A_377, %get3A_385 : vector<16xf32>
        %mul3A_389 = arith.mulf %mul3A_388, %get3A_7 : vector<16xf32>
        %add3A_390 = arith.addf %mul3A_387, %mul3A_389 : vector<16xf32>
        %mul3A_391 = arith.constant 16 : i32
        %mul3A_392 = arith.muli %scan3A_140, %mul3A_391 : i32
        %add3A_393 = arith.constant 10 : i32
        %add3A_394 = arith.addi %mul3A_392, %add3A_393 : i32
        %get3A_395 = arith.index_cast %add3A_394 : i32 to index
        %get3A_396 = arith.constant 0 : index
        %get3A_397 = tpu.vector_load %arg10[%get3A_395, %get3A_396] {strides = array<i32>} : memref<128x32xf32, #tpu.memory_space<vmem>>, vector<1x16xf32>,
        %get3A_398 = vector.shape_cast %get3A_397 : vector<1x16xf32> to vector<16xf32>
        %get3A_399 = arith.index_cast %add3A_394 : i32 to index
        %get3A_400 = arith.constant 16 : index
        %get3A_401 = tpu.vector_load %arg10[%get3A_399, %get3A_400] {strides = array<i32>} : memref<128x32xf32, #tpu.memory_space<vmem>>, vector<1x16xf32>,
        %get3A_402 = vector.shape_cast %get3A_401 : vector<1x16xf32> to vector<16xf32>
        %get3A_403 = arith.index_cast %add3A_394 : i32 to index
        %get3A_404 = arith.constant 0 : index
        %get3A_405 = tpu.vector_load %arg11[%get3A_403, %get3A_404] {strides = array<i32>} : memref<128x32xf32, #tpu.memory_space<vmem>>, vector<1x16xf32>,
        %get3A_406 = vector.shape_cast %get3A_405 : vector<1x16xf32> to vector<16xf32>
        %get3A_407 = arith.index_cast %add3A_394 : i32 to index
        %get3A_408 = arith.constant 16 : index
        %get3A_409 = tpu.vector_load %arg11[%get3A_407, %get3A_408] {strides = array<i32>} : memref<128x32xf32, #tpu.memory_space<vmem>>, vector<1x16xf32>,
        %get3A_410 = vector.shape_cast %get3A_409 : vector<1x16xf32> to vector<16xf32>
        %mul3A_411 = arith.mulf %get3A_398, %get3A_406 : vector<16xf32>
        %mul3A_412 = arith.mulf %mul3A_411, %get3A_4 : vector<16xf32>
        %mul3A_413 = arith.mulf %get3A_402, %get3A_410 : vector<16xf32>
        %mul3A_414 = arith.mulf %mul3A_413, %get3A_7 : vector<16xf32>
        %add3A_415 = arith.addf %mul3A_412, %mul3A_414 : vector<16xf32>
        %mul3A_416 = arith.constant 16 : i32
        %mul3A_417 = arith.muli %scan3A_140, %mul3A_416 : i32
        %add3A_418 = arith.constant 11 : i32
        %add3A_419 = arith.addi %mul3A_417, %add3A_418 : i32
        %get3A_420 = arith.index_cast %add3A_419 : i32 to index
        %get3A_421 = arith.constant 0 : index
        %get3A_422 = tpu.vector_load %arg10[%get3A_420, %get3A_421] {strides = array<i32>} : memref<128x32xf32, #tpu.memory_space<vmem>>, vector<1x16xf32>,
        %get3A_423 = vector.shape_cast %get3A_422 : vector<1x16xf32> to vector<16xf32>
        %get3A_424 = arith.index_cast %add3A_419 : i32 to index
        %get3A_425 = arith.constant 16 : index
        %get3A_426 = tpu.vector_load %arg10[%get3A_424, %get3A_425] {strides = array<i32>} : memref<128x32xf32, #tpu.memory_space<vmem>>, vector<1x16xf32>,
        %get3A_427 = vector.shape_cast %get3A_426 : vector<1x16xf32> to vector<16xf32>
        %get3A_428 = arith.index_cast %add3A_419 : i32 to index
        %get3A_429 = arith.constant 0 : index
        %get3A_430 = tpu.vector_load %arg11[%get3A_428, %get3A_429] {strides = array<i32>} : memref<128x32xf32, #tpu.memory_space<vmem>>, vector<1x16xf32>,
        %get3A_431 = vector.shape_cast %get3A_430 : vector<1x16xf32> to vector<16xf32>
        %get3A_432 = arith.index_cast %add3A_419 : i32 to index
        %get3A_433 = arith.constant 16 : index
        %get3A_434 = tpu.vector_load %arg11[%get3A_432, %get3A_433] {strides = array<i32>} : memref<128x32xf32, #tpu.memory_space<vmem>>, vector<1x16xf32>,
        %get3A_435 = vector.shape_cast %get3A_434 : vector<1x16xf32> to vector<16xf32>
        %mul3A_436 = arith.mulf %get3A_423, %get3A_431 : vector<16xf32>
        %mul3A_437 = arith.mulf %mul3A_436, %get3A_4 : vector<16xf32>
        %mul3A_438 = arith.mulf %get3A_427, %get3A_435 : vector<16xf32>
        %mul3A_439 = arith.mulf %mul3A_438, %get3A_7 : vector<16xf32>
        %add3A_440 = arith.addf %mul3A_437, %mul3A_439 : vector<16xf32>
        %mul3A_441 = arith.constant 16 : i32
        %mul3A_442 = arith.muli %scan3A_140, %mul3A_441 : i32
        %add3A_443 = arith.constant 12 : i32
        %add3A_444 = arith.addi %mul3A_442, %add3A_443 : i32
        %get3A_445 = arith.index_cast %add3A_444 : i32 to index
        %get3A_446 = arith.constant 0 : index
        %get3A_447 = tpu.vector_load %arg10[%get3A_445, %get3A_446] {strides = array<i32>} : memref<128x32xf32, #tpu.memory_space<vmem>>, vector<1x16xf32>,
        %get3A_448 = vector.shape_cast %get3A_447 : vector<1x16xf32> to vector<16xf32>
        %get3A_449 = arith.index_cast %add3A_444 : i32 to index
        %get3A_450 = arith.constant 16 : index
        %get3A_451 = tpu.vector_load %arg10[%get3A_449, %get3A_450] {strides = array<i32>} : memref<128x32xf32, #tpu.memory_space<vmem>>, vector<1x16xf32>,
        %get3A_452 = vector.shape_cast %get3A_451 : vector<1x16xf32> to vector<16xf32>
        %get3A_453 = arith.index_cast %add3A_444 : i32 to index
        %get3A_454 = arith.constant 0 : index
        %get3A_455 = tpu.vector_load %arg11[%get3A_453, %get3A_454] {strides = array<i32>} : memref<128x32xf32, #tpu.memory_space<vmem>>, vector<1x16xf32>,
        %get3A_456 = vector.shape_cast %get3A_455 : vector<1x16xf32> to vector<16xf32>
        %get3A_457 = arith.index_cast %add3A_444 : i32 to index
        %get3A_458 = arith.constant 16 : index
        %get3A_459 = tpu.vector_load %arg11[%get3A_457, %get3A_458] {strides = array<i32>} : memref<128x32xf32, #tpu.memory_space<vmem>>, vector<1x16xf32>,
        %get3A_460 = vector.shape_cast %get3A_459 : vector<1x16xf32> to vector<16xf32>
        %mul3A_461 = arith.mulf %get3A_448, %get3A_456 : vector<16xf32>
        %mul3A_462 = arith.mulf %mul3A_461, %get3A_4 : vector<16xf32>
        %mul3A_463 = arith.mulf %get3A_452, %get3A_460 : vector<16xf32>
        %mul3A_464 = arith.mulf %mul3A_463, %get3A_7 : vector<16xf32>
        %add3A_465 = arith.addf %mul3A_462, %mul3A_464 : vector<16xf32>
        %mul3A_466 = arith.constant 16 : i32
        %mul3A_467 = arith.muli %scan3A_140, %mul3A_466 : i32
        %add3A_468 = arith.constant 13 : i32
        %add3A_469 = arith.addi %mul3A_467, %add3A_468 : i32
        %get3A_470 = arith.index_cast %add3A_469 : i32 to index
        %get3A_471 = arith.constant 0 : index
        %get3A_472 = tpu.vector_load %arg10[%get3A_470, %get3A_471] {strides = array<i32>} : memref<128x32xf32, #tpu.memory_space<vmem>>, vector<1x16xf32>,
        %get3A_473 = vector.shape_cast %get3A_472 : vector<1x16xf32> to vector<16xf32>
        %get3A_474 = arith.index_cast %add3A_469 : i32 to index
        %get3A_475 = arith.constant 16 : index
        %get3A_476 = tpu.vector_load %arg10[%get3A_474, %get3A_475] {strides = array<i32>} : memref<128x32xf32, #tpu.memory_space<vmem>>, vector<1x16xf32>,
        %get3A_477 = vector.shape_cast %get3A_476 : vector<1x16xf32> to vector<16xf32>
        %get3A_478 = arith.index_cast %add3A_469 : i32 to index
        %get3A_479 = arith.constant 0 : index
        %get3A_480 = tpu.vector_load %arg11[%get3A_478, %get3A_479] {strides = array<i32>} : memref<128x32xf32, #tpu.memory_space<vmem>>, vector<1x16xf32>,
        %get3A_481 = vector.shape_cast %get3A_480 : vector<1x16xf32> to vector<16xf32>
        %get3A_482 = arith.index_cast %add3A_469 : i32 to index
        %get3A_483 = arith.constant 16 : index
        %get3A_484 = tpu.vector_load %arg11[%get3A_482, %get3A_483] {strides = array<i32>} : memref<128x32xf32, #tpu.memory_space<vmem>>, vector<1x16xf32>,
        %get3A_485 = vector.shape_cast %get3A_484 : vector<1x16xf32> to vector<16xf32>
        %mul3A_486 = arith.mulf %get3A_473, %get3A_481 : vector<16xf32>
        %mul3A_487 = arith.mulf %mul3A_486, %get3A_4 : vector<16xf32>
        %mul3A_488 = arith.mulf %get3A_477, %get3A_485 : vector<16xf32>
        %mul3A_489 = arith.mulf %mul3A_488, %get3A_7 : vector<16xf32>
        %add3A_490 = arith.addf %mul3A_487, %mul3A_489 : vector<16xf32>
        %mul3A_491 = arith.constant 16 : i32
        %mul3A_492 = arith.muli %scan3A_140, %mul3A_491 : i32
        %add3A_493 = arith.constant 14 : i32
        %add3A_494 = arith.addi %mul3A_492, %add3A_493 : i32
        %get3A_495 = arith.index_cast %add3A_494 : i32 to index
        %get3A_496 = arith.constant 0 : index
        %get3A_497 = tpu.vector_load %arg10[%get3A_495, %get3A_496] {strides = array<i32>} : memref<128x32xf32, #tpu.memory_space<vmem>>, vector<1x16xf32>,
        %get3A_498 = vector.shape_cast %get3A_497 : vector<1x16xf32> to vector<16xf32>
        %get3A_499 = arith.index_cast %add3A_494 : i32 to index
        %get3A_500 = arith.constant 16 : index
        %get3A_501 = tpu.vector_load %arg10[%get3A_499, %get3A_500] {strides = array<i32>} : memref<128x32xf32, #tpu.memory_space<vmem>>, vector<1x16xf32>,
        %get3A_502 = vector.shape_cast %get3A_501 : vector<1x16xf32> to vector<16xf32>
        %get3A_503 = arith.index_cast %add3A_494 : i32 to index
        %get3A_504 = arith.constant 0 : index
        %get3A_505 = tpu.vector_load %arg11[%get3A_503, %get3A_504] {strides = array<i32>} : memref<128x32xf32, #tpu.memory_space<vmem>>, vector<1x16xf32>,
        %get3A_506 = vector.shape_cast %get3A_505 : vector<1x16xf32> to vector<16xf32>
        %get3A_507 = arith.index_cast %add3A_494 : i32 to index
        %get3A_508 = arith.constant 16 : index
        %get3A_509 = tpu.vector_load %arg11[%get3A_507, %get3A_508] {strides = array<i32>} : memref<128x32xf32, #tpu.memory_space<vmem>>, vector<1x16xf32>,
        %get3A_510 = vector.shape_cast %get3A_509 : vector<1x16xf32> to vector<16xf32>
        %mul3A_511 = arith.mulf %get3A_498, %get3A_506 : vector<16xf32>
        %mul3A_512 = arith.mulf %mul3A_511, %get3A_4 : vector<16xf32>
        %mul3A_513 = arith.mulf %get3A_502, %get3A_510 : vector<16xf32>
        %mul3A_514 = arith.mulf %mul3A_513, %get3A_7 : vector<16xf32>
        %add3A_515 = arith.addf %mul3A_512, %mul3A_514 : vector<16xf32>
        %mul3A_516 = arith.constant 16 : i32
        %mul3A_517 = arith.muli %scan3A_140, %mul3A_516 : i32
        %add3A_518 = arith.constant 15 : i32
        %add3A_519 = arith.addi %mul3A_517, %add3A_518 : i32
        %get3A_520 = arith.index_cast %add3A_519 : i32 to index
        %get3A_521 = arith.constant 0 : index
        %get3A_522 = tpu.vector_load %arg10[%get3A_520, %get3A_521] {strides = array<i32>} : memref<128x32xf32, #tpu.memory_space<vmem>>, vector<1x16xf32>,
        %get3A_523 = vector.shape_cast %get3A_522 : vector<1x16xf32> to vector<16xf32>
        %get3A_524 = arith.index_cast %add3A_519 : i32 to index
        %get3A_525 = arith.constant 16 : index
        %get3A_526 = tpu.vector_load %arg10[%get3A_524, %get3A_525] {strides = array<i32>} : memref<128x32xf32, #tpu.memory_space<vmem>>, vector<1x16xf32>,
        %get3A_527 = vector.shape_cast %get3A_526 : vector<1x16xf32> to vector<16xf32>
        %get3A_528 = arith.index_cast %add3A_519 : i32 to index
        %get3A_529 = arith.constant 0 : index
        %get3A_530 = tpu.vector_load %arg11[%get3A_528, %get3A_529] {strides = array<i32>} : memref<128x32xf32, #tpu.memory_space<vmem>>, vector<1x16xf32>,
        %get3A_531 = vector.shape_cast %get3A_530 : vector<1x16xf32> to vector<16xf32>
        %get3A_532 = arith.index_cast %add3A_519 : i32 to index
        %get3A_533 = arith.constant 16 : index
        %get3A_534 = tpu.vector_load %arg11[%get3A_532, %get3A_533] {strides = array<i32>} : memref<128x32xf32, #tpu.memory_space<vmem>>, vector<1x16xf32>,
        %get3A_535 = vector.shape_cast %get3A_534 : vector<1x16xf32> to vector<16xf32>
        %mul3A_536 = arith.mulf %get3A_523, %get3A_531 : vector<16xf32>
        %mul3A_537 = arith.mulf %mul3A_536, %get3A_4 : vector<16xf32>
        %mul3A_538 = arith.mulf %get3A_527, %get3A_535 : vector<16xf32>
        %mul3A_539 = arith.mulf %mul3A_538, %get3A_7 : vector<16xf32>
        %add3A_540 = arith.addf %mul3A_537, %mul3A_539 : vector<16xf32>
        %and3A = arith.constant 1 : i32
        %and3A_541 = vector.broadcast %and3A : i32 to vector<16xi32>
        %and3A_542 = arith.andi %iota3A, %and3A_541 : vector<16xi32>
        %eq3A = arith.constant 0 : i32
        %eq3A_543 = vector.broadcast %eq3A : i32 to vector<16xi32>
        %eq3A_544 = arith.cmpi eq, %and3A_542, %eq3A_543 : vector<16xi32>
        %lt3A = arith.constant 0 : i32
        %lt3A_545 = vector.broadcast %lt3A : i32 to vector<16xi32>
        %lt3A_546 = arith.cmpi slt, %xor3A_15, %lt3A_545 : vector<16xi32>
        %add3A_547 = arith.constant 16 : i32
        %add3A_548 = vector.broadcast %add3A_547 : i32 to vector<16xi32>
        %add3A_549 = arith.addi %xor3A_15, %add3A_548 : vector<16xi32>
        %select_n3A = arith.select %lt3A_546, %add3A_549, %xor3A_15 : vector<16xi1>, vector<16xi32>
        %broadcast_in_dim3A_550 = vector.shape_cast %select_n3A : vector<16xi32> to vector<16x1xi32>
        %gather3A = vector.shape_cast %broadcast_in_dim3A_550 : vector<16x1xi32> to vector<16xi32>
        %gather3A_551 = tpu.dynamic_gather %add3A_165[%gather3A] in [0] : vector<16xf32>, vector<16xi32> -> vector<16xf32>
        %add3A_552 = arith.addf %add3A_165, %gather3A_551 : vector<16xf32>
        %lt3A_553 = arith.constant 0 : i32
        %lt3A_554 = vector.broadcast %lt3A_553 : i32 to vector<16xi32>
        %lt3A_555 = arith.cmpi slt, %xor3A_15, %lt3A_554 : vector<16xi32>
        %add3A_556 = arith.constant 16 : i32
        %add3A_557 = vector.broadcast %add3A_556 : i32 to vector<16xi32>
        %add3A_558 = arith.addi %xor3A_15, %add3A_557 : vector<16xi32>
        %select_n3A_559 = arith.select %lt3A_555, %add3A_558, %xor3A_15 : vector<16xi1>, vector<16xi32>
        %broadcast_in_dim3A_560 = vector.shape_cast %select_n3A_559 : vector<16xi32> to vector<16x1xi32>
        %gather3A_561 = vector.shape_cast %broadcast_in_dim3A_560 : vector<16x1xi32> to vector<16xi32>
        %gather3A_562 = tpu.dynamic_gather %add3A_190[%gather3A_561] in [0] : vector<16xf32>, vector<16xi32> -> vector<16xf32>
        %add3A_563 = arith.addf %add3A_190, %gather3A_562 : vector<16xf32>
        %select_n3A_564 = arith.select %eq3A_544, %add3A_552, %add3A_563 : vector<16xi1>, vector<16xf32>
        %lt3A_565 = arith.constant 0 : i32
        %lt3A_566 = vector.broadcast %lt3A_565 : i32 to vector<16xi32>
        %lt3A_567 = arith.cmpi slt, %xor3A_15, %lt3A_566 : vector<16xi32>
        %add3A_568 = arith.constant 16 : i32
        %add3A_569 = vector.broadcast %add3A_568 : i32 to vector<16xi32>
        %add3A_570 = arith.addi %xor3A_15, %add3A_569 : vector<16xi32>
        %select_n3A_571 = arith.select %lt3A_567, %add3A_570, %xor3A_15 : vector<16xi1>, vector<16xi32>
        %broadcast_in_dim3A_572 = vector.shape_cast %select_n3A_571 : vector<16xi32> to vector<16x1xi32>
        %gather3A_573 = vector.shape_cast %broadcast_in_dim3A_572 : vector<16x1xi32> to vector<16xi32>
        %gather3A_574 = tpu.dynamic_gather %add3A_215[%gather3A_573] in [0] : vector<16xf32>, vector<16xi32> -> vector<16xf32>
        %add3A_575 = arith.addf %add3A_215, %gather3A_574 : vector<16xf32>
        %lt3A_576 = arith.constant 0 : i32
        %lt3A_577 = vector.broadcast %lt3A_576 : i32 to vector<16xi32>
        %lt3A_578 = arith.cmpi slt, %xor3A_15, %lt3A_577 : vector<16xi32>
        %add3A_579 = arith.constant 16 : i32
        %add3A_580 = vector.broadcast %add3A_579 : i32 to vector<16xi32>
        %add3A_581 = arith.addi %xor3A_15, %add3A_580 : vector<16xi32>
        %select_n3A_582 = arith.select %lt3A_578, %add3A_581, %xor3A_15 : vector<16xi1>, vector<16xi32>
        %broadcast_in_dim3A_583 = vector.shape_cast %select_n3A_582 : vector<16xi32> to vector<16x1xi32>
        %gather3A_584 = vector.shape_cast %broadcast_in_dim3A_583 : vector<16x1xi32> to vector<16xi32>
        %gather3A_585 = tpu.dynamic_gather %add3A_240[%gather3A_584] in [0] : vector<16xf32>, vector<16xi32> -> vector<16xf32>
        %add3A_586 = arith.addf %add3A_240, %gather3A_585 : vector<16xf32>
        %select_n3A_587 = arith.select %eq3A_544, %add3A_575, %add3A_586 : vector<16xi1>, vector<16xf32>
        %lt3A_588 = arith.constant 0 : i32
        %lt3A_589 = vector.broadcast %lt3A_588 : i32 to vector<16xi32>
        %lt3A_590 = arith.cmpi slt, %xor3A_15, %lt3A_589 : vector<16xi32>
        %add3A_591 = arith.constant 16 : i32
        %add3A_592 = vector.broadcast %add3A_591 : i32 to vector<16xi32>
        %add3A_593 = arith.addi %xor3A_15, %add3A_592 : vector<16xi32>
        %select_n3A_594 = arith.select %lt3A_590, %add3A_593, %xor3A_15 : vector<16xi1>, vector<16xi32>
        %broadcast_in_dim3A_595 = vector.shape_cast %select_n3A_594 : vector<16xi32> to vector<16x1xi32>
        %gather3A_596 = vector.shape_cast %broadcast_in_dim3A_595 : vector<16x1xi32> to vector<16xi32>
        %gather3A_597 = tpu.dynamic_gather %add3A_265[%gather3A_596] in [0] : vector<16xf32>, vector<16xi32> -> vector<16xf32>
        %add3A_598 = arith.addf %add3A_265, %gather3A_597 : vector<16xf32>
        %lt3A_599 = arith.constant 0 : i32
        %lt3A_600 = vector.broadcast %lt3A_599 : i32 to vector<16xi32>
        %lt3A_601 = arith.cmpi slt, %xor3A_15, %lt3A_600 : vector<16xi32>
        %add3A_602 = arith.constant 16 : i32
        %add3A_603 = vector.broadcast %add3A_602 : i32 to vector<16xi32>
        %add3A_604 = arith.addi %xor3A_15, %add3A_603 : vector<16xi32>
        %select_n3A_605 = arith.select %lt3A_601, %add3A_604, %xor3A_15 : vector<16xi1>, vector<16xi32>
        %broadcast_in_dim3A_606 = vector.shape_cast %select_n3A_605 : vector<16xi32> to vector<16x1xi32>
        %gather3A_607 = vector.shape_cast %broadcast_in_dim3A_606 : vector<16x1xi32> to vector<16xi32>
        %gather3A_608 = tpu.dynamic_gather %add3A_290[%gather3A_607] in [0] : vector<16xf32>, vector<16xi32> -> vector<16xf32>
        %add3A_609 = arith.addf %add3A_290, %gather3A_608 : vector<16xf32>
        %select_n3A_610 = arith.select %eq3A_544, %add3A_598, %add3A_609 : vector<16xi1>, vector<16xf32>
        %lt3A_611 = arith.constant 0 : i32
        %lt3A_612 = vector.broadcast %lt3A_611 : i32 to vector<16xi32>
        %lt3A_613 = arith.cmpi slt, %xor3A_15, %lt3A_612 : vector<16xi32>
        %add3A_614 = arith.constant 16 : i32
        %add3A_615 = vector.broadcast %add3A_614 : i32 to vector<16xi32>
        %add3A_616 = arith.addi %xor3A_15, %add3A_615 : vector<16xi32>
        %select_n3A_617 = arith.select %lt3A_613, %add3A_616, %xor3A_15 : vector<16xi1>, vector<16xi32>
        %broadcast_in_dim3A_618 = vector.shape_cast %select_n3A_617 : vector<16xi32> to vector<16x1xi32>
        %gather3A_619 = vector.shape_cast %broadcast_in_dim3A_618 : vector<16x1xi32> to vector<16xi32>
        %gather3A_620 = tpu.dynamic_gather %add3A_315[%gather3A_619] in [0] : vector<16xf32>, vector<16xi32> -> vector<16xf32>
        %add3A_621 = arith.addf %add3A_315, %gather3A_620 : vector<16xf32>
        %lt3A_622 = arith.constant 0 : i32
        %lt3A_623 = vector.broadcast %lt3A_622 : i32 to vector<16xi32>
        %lt3A_624 = arith.cmpi slt, %xor3A_15, %lt3A_623 : vector<16xi32>
        %add3A_625 = arith.constant 16 : i32
        %add3A_626 = vector.broadcast %add3A_625 : i32 to vector<16xi32>
        %add3A_627 = arith.addi %xor3A_15, %add3A_626 : vector<16xi32>
        %select_n3A_628 = arith.select %lt3A_624, %add3A_627, %xor3A_15 : vector<16xi1>, vector<16xi32>
        %broadcast_in_dim3A_629 = vector.shape_cast %select_n3A_628 : vector<16xi32> to vector<16x1xi32>
        %gather3A_630 = vector.shape_cast %broadcast_in_dim3A_629 : vector<16x1xi32> to vector<16xi32>
        %gather3A_631 = tpu.dynamic_gather %add3A_340[%gather3A_630] in [0] : vector<16xf32>, vector<16xi32> -> vector<16xf32>
        %add3A_632 = arith.addf %add3A_340, %gather3A_631 : vector<16xf32>
        %select_n3A_633 = arith.select %eq3A_544, %add3A_621, %add3A_632 : vector<16xi1>, vector<16xf32>
        %lt3A_634 = arith.constant 0 : i32
        %lt3A_635 = vector.broadcast %lt3A_634 : i32 to vector<16xi32>
        %lt3A_636 = arith.cmpi slt, %xor3A_15, %lt3A_635 : vector<16xi32>
        %add3A_637 = arith.constant 16 : i32
        %add3A_638 = vector.broadcast %add3A_637 : i32 to vector<16xi32>
        %add3A_639 = arith.addi %xor3A_15, %add3A_638 : vector<16xi32>
        %select_n3A_640 = arith.select %lt3A_636, %add3A_639, %xor3A_15 : vector<16xi1>, vector<16xi32>
        %broadcast_in_dim3A_641 = vector.shape_cast %select_n3A_640 : vector<16xi32> to vector<16x1xi32>
        %gather3A_642 = vector.shape_cast %broadcast_in_dim3A_641 : vector<16x1xi32> to vector<16xi32>
        %gather3A_643 = tpu.dynamic_gather %add3A_365[%gather3A_642] in [0] : vector<16xf32>, vector<16xi32> -> vector<16xf32>
        %add3A_644 = arith.addf %add3A_365, %gather3A_643 : vector<16xf32>
        %lt3A_645 = arith.constant 0 : i32
        %lt3A_646 = vector.broadcast %lt3A_645 : i32 to vector<16xi32>
        %lt3A_647 = arith.cmpi slt, %xor3A_15, %lt3A_646 : vector<16xi32>
        %add3A_648 = arith.constant 16 : i32
        %add3A_649 = vector.broadcast %add3A_648 : i32 to vector<16xi32>
        %add3A_650 = arith.addi %xor3A_15, %add3A_649 : vector<16xi32>
        %select_n3A_651 = arith.select %lt3A_647, %add3A_650, %xor3A_15 : vector<16xi1>, vector<16xi32>
        %broadcast_in_dim3A_652 = vector.shape_cast %select_n3A_651 : vector<16xi32> to vector<16x1xi32>
        %gather3A_653 = vector.shape_cast %broadcast_in_dim3A_652 : vector<16x1xi32> to vector<16xi32>
        %gather3A_654 = tpu.dynamic_gather %add3A_390[%gather3A_653] in [0] : vector<16xf32>, vector<16xi32> -> vector<16xf32>
        %add3A_655 = arith.addf %add3A_390, %gather3A_654 : vector<16xf32>
        %select_n3A_656 = arith.select %eq3A_544, %add3A_644, %add3A_655 : vector<16xi1>, vector<16xf32>
        %lt3A_657 = arith.constant 0 : i32
        %lt3A_658 = vector.broadcast %lt3A_657 : i32 to vector<16xi32>
        %lt3A_659 = arith.cmpi slt, %xor3A_15, %lt3A_658 : vector<16xi32>
        %add3A_660 = arith.constant 16 : i32
        %add3A_661 = vector.broadcast %add3A_660 : i32 to vector<16xi32>
        %add3A_662 = arith.addi %xor3A_15, %add3A_661 : vector<16xi32>
        %select_n3A_663 = arith.select %lt3A_659, %add3A_662, %xor3A_15 : vector<16xi1>, vector<16xi32>
        %broadcast_in_dim3A_664 = vector.shape_cast %select_n3A_663 : vector<16xi32> to vector<16x1xi32>
        %gather3A_665 = vector.shape_cast %broadcast_in_dim3A_664 : vector<16x1xi32> to vector<16xi32>
        %gather3A_666 = tpu.dynamic_gather %add3A_415[%gather3A_665] in [0] : vector<16xf32>, vector<16xi32> -> vector<16xf32>
        %add3A_667 = arith.addf %add3A_415, %gather3A_666 : vector<16xf32>
        %lt3A_668 = arith.constant 0 : i32
        %lt3A_669 = vector.broadcast %lt3A_668 : i32 to vector<16xi32>
        %lt3A_670 = arith.cmpi slt, %xor3A_15, %lt3A_669 : vector<16xi32>
        %add3A_671 = arith.constant 16 : i32
        %add3A_672 = vector.broadcast %add3A_671 : i32 to vector<16xi32>
        %add3A_673 = arith.addi %xor3A_15, %add3A_672 : vector<16xi32>
        %select_n3A_674 = arith.select %lt3A_670, %add3A_673, %xor3A_15 : vector<16xi1>, vector<16xi32>
        %broadcast_in_dim3A_675 = vector.shape_cast %select_n3A_674 : vector<16xi32> to vector<16x1xi32>
        %gather3A_676 = vector.shape_cast %broadcast_in_dim3A_675 : vector<16x1xi32> to vector<16xi32>
        %gather3A_677 = tpu.dynamic_gather %add3A_440[%gather3A_676] in [0] : vector<16xf32>, vector<16xi32> -> vector<16xf32>
        %add3A_678 = arith.addf %add3A_440, %gather3A_677 : vector<16xf32>
        %select_n3A_679 = arith.select %eq3A_544, %add3A_667, %add3A_678 : vector<16xi1>, vector<16xf32>
        %lt3A_680 = arith.constant 0 : i32
        %lt3A_681 = vector.broadcast %lt3A_680 : i32 to vector<16xi32>
        %lt3A_682 = arith.cmpi slt, %xor3A_15, %lt3A_681 : vector<16xi32>
        %add3A_683 = arith.constant 16 : i32
        %add3A_684 = vector.broadcast %add3A_683 : i32 to vector<16xi32>
        %add3A_685 = arith.addi %xor3A_15, %add3A_684 : vector<16xi32>
        %select_n3A_686 = arith.select %lt3A_682, %add3A_685, %xor3A_15 : vector<16xi1>, vector<16xi32>
        %broadcast_in_dim3A_687 = vector.shape_cast %select_n3A_686 : vector<16xi32> to vector<16x1xi32>
        %gather3A_688 = vector.shape_cast %broadcast_in_dim3A_687 : vector<16x1xi32> to vector<16xi32>
        %gather3A_689 = tpu.dynamic_gather %add3A_465[%gather3A_688] in [0] : vector<16xf32>, vector<16xi32> -> vector<16xf32>
        %add3A_690 = arith.addf %add3A_465, %gather3A_689 : vector<16xf32>
        %lt3A_691 = arith.constant 0 : i32
        %lt3A_692 = vector.broadcast %lt3A_691 : i32 to vector<16xi32>
        %lt3A_693 = arith.cmpi slt, %xor3A_15, %lt3A_692 : vector<16xi32>
        %add3A_694 = arith.constant 16 : i32
        %add3A_695 = vector.broadcast %add3A_694 : i32 to vector<16xi32>
        %add3A_696 = arith.addi %xor3A_15, %add3A_695 : vector<16xi32>
        %select_n3A_697 = arith.select %lt3A_693, %add3A_696, %xor3A_15 : vector<16xi1>, vector<16xi32>
        %broadcast_in_dim3A_698 = vector.shape_cast %select_n3A_697 : vector<16xi32> to vector<16x1xi32>
        %gather3A_699 = vector.shape_cast %broadcast_in_dim3A_698 : vector<16x1xi32> to vector<16xi32>
        %gather3A_700 = tpu.dynamic_gather %add3A_490[%gather3A_699] in [0] : vector<16xf32>, vector<16xi32> -> vector<16xf32>
        %add3A_701 = arith.addf %add3A_490, %gather3A_700 : vector<16xf32>
        %select_n3A_702 = arith.select %eq3A_544, %add3A_690, %add3A_701 : vector<16xi1>, vector<16xf32>
        %lt3A_703 = arith.constant 0 : i32
        %lt3A_704 = vector.broadcast %lt3A_703 : i32 to vector<16xi32>
        %lt3A_705 = arith.cmpi slt, %xor3A_15, %lt3A_704 : vector<16xi32>
        %add3A_706 = arith.constant 16 : i32
        %add3A_707 = vector.broadcast %add3A_706 : i32 to vector<16xi32>
        %add3A_708 = arith.addi %xor3A_15, %add3A_707 : vector<16xi32>
        %select_n3A_709 = arith.select %lt3A_705, %add3A_708, %xor3A_15 : vector<16xi1>, vector<16xi32>
        %broadcast_in_dim3A_710 = vector.shape_cast %select_n3A_709 : vector<16xi32> to vector<16x1xi32>
        %gather3A_711 = vector.shape_cast %broadcast_in_dim3A_710 : vector<16x1xi32> to vector<16xi32>
        %gather3A_712 = tpu.dynamic_gather %add3A_515[%gather3A_711] in [0] : vector<16xf32>, vector<16xi32> -> vector<16xf32>
        %add3A_713 = arith.addf %add3A_515, %gather3A_712 : vector<16xf32>
        %lt3A_714 = arith.constant 0 : i32
        %lt3A_715 = vector.broadcast %lt3A_714 : i32 to vector<16xi32>
        %lt3A_716 = arith.cmpi slt, %xor3A_15, %lt3A_715 : vector<16xi32>
        %add3A_717 = arith.constant 16 : i32
        %add3A_718 = vector.broadcast %add3A_717 : i32 to vector<16xi32>
        %add3A_719 = arith.addi %xor3A_15, %add3A_718 : vector<16xi32>
        %select_n3A_720 = arith.select %lt3A_716, %add3A_719, %xor3A_15 : vector<16xi1>, vector<16xi32>
        %broadcast_in_dim3A_721 = vector.shape_cast %select_n3A_720 : vector<16xi32> to vector<16x1xi32>
        %gather3A_722 = vector.shape_cast %broadcast_in_dim3A_721 : vector<16x1xi32> to vector<16xi32>
        %gather3A_723 = tpu.dynamic_gather %add3A_540[%gather3A_722] in [0] : vector<16xf32>, vector<16xi32> -> vector<16xf32>
        %add3A_724 = arith.addf %add3A_540, %gather3A_723 : vector<16xf32>
        %select_n3A_725 = arith.select %eq3A_544, %add3A_713, %add3A_724 : vector<16xi1>, vector<16xf32>
        %and3A_726 = arith.constant 2 : i32
        %and3A_727 = vector.broadcast %and3A_726 : i32 to vector<16xi32>
        %and3A_728 = arith.andi %iota3A, %and3A_727 : vector<16xi32>
        %eq3A_729 = arith.constant 0 : i32
        %eq3A_730 = vector.broadcast %eq3A_729 : i32 to vector<16xi32>
        %eq3A_731 = arith.cmpi eq, %and3A_728, %eq3A_730 : vector<16xi32>
        %lt3A_732 = arith.constant 0 : i32
        %lt3A_733 = vector.broadcast %lt3A_732 : i32 to vector<16xi32>
        %lt3A_734 = arith.cmpi slt, %xor3A_18, %lt3A_733 : vector<16xi32>
        %add3A_735 = arith.constant 16 : i32
        %add3A_736 = vector.broadcast %add3A_735 : i32 to vector<16xi32>
        %add3A_737 = arith.addi %xor3A_18, %add3A_736 : vector<16xi32>
        %select_n3A_738 = arith.select %lt3A_734, %add3A_737, %xor3A_18 : vector<16xi1>, vector<16xi32>
        %broadcast_in_dim3A_739 = vector.shape_cast %select_n3A_738 : vector<16xi32> to vector<16x1xi32>
        %gather3A_740 = vector.shape_cast %broadcast_in_dim3A_739 : vector<16x1xi32> to vector<16xi32>
        %gather3A_741 = tpu.dynamic_gather %select_n3A_564[%gather3A_740] in [0] : vector<16xf32>, vector<16xi32> -> vector<16xf32>
        %add3A_742 = arith.addf %select_n3A_564, %gather3A_741 : vector<16xf32>
        %lt3A_743 = arith.constant 0 : i32
        %lt3A_744 = vector.broadcast %lt3A_743 : i32 to vector<16xi32>
        %lt3A_745 = arith.cmpi slt, %xor3A_18, %lt3A_744 : vector<16xi32>
        %add3A_746 = arith.constant 16 : i32
        %add3A_747 = vector.broadcast %add3A_746 : i32 to vector<16xi32>
        %add3A_748 = arith.addi %xor3A_18, %add3A_747 : vector<16xi32>
        %select_n3A_749 = arith.select %lt3A_745, %add3A_748, %xor3A_18 : vector<16xi1>, vector<16xi32>
        %broadcast_in_dim3A_750 = vector.shape_cast %select_n3A_749 : vector<16xi32> to vector<16x1xi32>
        %gather3A_751 = vector.shape_cast %broadcast_in_dim3A_750 : vector<16x1xi32> to vector<16xi32>
        %gather3A_752 = tpu.dynamic_gather %select_n3A_587[%gather3A_751] in [0] : vector<16xf32>, vector<16xi32> -> vector<16xf32>
        %add3A_753 = arith.addf %select_n3A_587, %gather3A_752 : vector<16xf32>
        %select_n3A_754 = arith.select %eq3A_731, %add3A_742, %add3A_753 : vector<16xi1>, vector<16xf32>
        %lt3A_755 = arith.constant 0 : i32
        %lt3A_756 = vector.broadcast %lt3A_755 : i32 to vector<16xi32>
        %lt3A_757 = arith.cmpi slt, %xor3A_18, %lt3A_756 : vector<16xi32>
        %add3A_758 = arith.constant 16 : i32
        %add3A_759 = vector.broadcast %add3A_758 : i32 to vector<16xi32>
        %add3A_760 = arith.addi %xor3A_18, %add3A_759 : vector<16xi32>
        %select_n3A_761 = arith.select %lt3A_757, %add3A_760, %xor3A_18 : vector<16xi1>, vector<16xi32>
        %broadcast_in_dim3A_762 = vector.shape_cast %select_n3A_761 : vector<16xi32> to vector<16x1xi32>
        %gather3A_763 = vector.shape_cast %broadcast_in_dim3A_762 : vector<16x1xi32> to vector<16xi32>
        %gather3A_764 = tpu.dynamic_gather %select_n3A_610[%gather3A_763] in [0] : vector<16xf32>, vector<16xi32> -> vector<16xf32>
        %add3A_765 = arith.addf %select_n3A_610, %gather3A_764 : vector<16xf32>
        %lt3A_766 = arith.constant 0 : i32
        %lt3A_767 = vector.broadcast %lt3A_766 : i32 to vector<16xi32>
        %lt3A_768 = arith.cmpi slt, %xor3A_18, %lt3A_767 : vector<16xi32>
        %add3A_769 = arith.constant 16 : i32
        %add3A_770 = vector.broadcast %add3A_769 : i32 to vector<16xi32>
        %add3A_771 = arith.addi %xor3A_18, %add3A_770 : vector<16xi32>
        %select_n3A_772 = arith.select %lt3A_768, %add3A_771, %xor3A_18 : vector<16xi1>, vector<16xi32>
        %broadcast_in_dim3A_773 = vector.shape_cast %select_n3A_772 : vector<16xi32> to vector<16x1xi32>
        %gather3A_774 = vector.shape_cast %broadcast_in_dim3A_773 : vector<16x1xi32> to vector<16xi32>
        %gather3A_775 = tpu.dynamic_gather %select_n3A_633[%gather3A_774] in [0] : vector<16xf32>, vector<16xi32> -> vector<16xf32>
        %add3A_776 = arith.addf %select_n3A_633, %gather3A_775 : vector<16xf32>
        %select_n3A_777 = arith.select %eq3A_731, %add3A_765, %add3A_776 : vector<16xi1>, vector<16xf32>
        %lt3A_778 = arith.constant 0 : i32
        %lt3A_779 = vector.broadcast %lt3A_778 : i32 to vector<16xi32>
        %lt3A_780 = arith.cmpi slt, %xor3A_18, %lt3A_779 : vector<16xi32>
        %add3A_781 = arith.constant 16 : i32
        %add3A_782 = vector.broadcast %add3A_781 : i32 to vector<16xi32>
        %add3A_783 = arith.addi %xor3A_18, %add3A_782 : vector<16xi32>
        %select_n3A_784 = arith.select %lt3A_780, %add3A_783, %xor3A_18 : vector<16xi1>, vector<16xi32>
        %broadcast_in_dim3A_785 = vector.shape_cast %select_n3A_784 : vector<16xi32> to vector<16x1xi32>
        %gather3A_786 = vector.shape_cast %broadcast_in_dim3A_785 : vector<16x1xi32> to vector<16xi32>
        %gather3A_787 = tpu.dynamic_gather %select_n3A_656[%gather3A_786] in [0] : vector<16xf32>, vector<16xi32> -> vector<16xf32>
        %add3A_788 = arith.addf %select_n3A_656, %gather3A_787 : vector<16xf32>
        %lt3A_789 = arith.constant 0 : i32
        %lt3A_790 = vector.broadcast %lt3A_789 : i32 to vector<16xi32>
        %lt3A_791 = arith.cmpi slt, %xor3A_18, %lt3A_790 : vector<16xi32>
        %add3A_792 = arith.constant 16 : i32
        %add3A_793 = vector.broadcast %add3A_792 : i32 to vector<16xi32>
        %add3A_794 = arith.addi %xor3A_18, %add3A_793 : vector<16xi32>
        %select_n3A_795 = arith.select %lt3A_791, %add3A_794, %xor3A_18 : vector<16xi1>, vector<16xi32>
        %broadcast_in_dim3A_796 = vector.shape_cast %select_n3A_795 : vector<16xi32> to vector<16x1xi32>
        %gather3A_797 = vector.shape_cast %broadcast_in_dim3A_796 : vector<16x1xi32> to vector<16xi32>
        %gather3A_798 = tpu.dynamic_gather %select_n3A_679[%gather3A_797] in [0] : vector<16xf32>, vector<16xi32> -> vector<16xf32>
        %add3A_799 = arith.addf %select_n3A_679, %gather3A_798 : vector<16xf32>
        %select_n3A_800 = arith.select %eq3A_731, %add3A_788, %add3A_799 : vector<16xi1>, vector<16xf32>
        %lt3A_801 = arith.constant 0 : i32
        %lt3A_802 = vector.broadcast %lt3A_801 : i32 to vector<16xi32>
        %lt3A_803 = arith.cmpi slt, %xor3A_18, %lt3A_802 : vector<16xi32>
        %add3A_804 = arith.constant 16 : i32
        %add3A_805 = vector.broadcast %add3A_804 : i32 to vector<16xi32>
        %add3A_806 = arith.addi %xor3A_18, %add3A_805 : vector<16xi32>
        %select_n3A_807 = arith.select %lt3A_803, %add3A_806, %xor3A_18 : vector<16xi1>, vector<16xi32>
        %broadcast_in_dim3A_808 = vector.shape_cast %select_n3A_807 : vector<16xi32> to vector<16x1xi32>
        %gather3A_809 = vector.shape_cast %broadcast_in_dim3A_808 : vector<16x1xi32> to vector<16xi32>
        %gather3A_810 = tpu.dynamic_gather %select_n3A_702[%gather3A_809] in [0] : vector<16xf32>, vector<16xi32> -> vector<16xf32>
        %add3A_811 = arith.addf %select_n3A_702, %gather3A_810 : vector<16xf32>
        %lt3A_812 = arith.constant 0 : i32
        %lt3A_813 = vector.broadcast %lt3A_812 : i32 to vector<16xi32>
        %lt3A_814 = arith.cmpi slt, %xor3A_18, %lt3A_813 : vector<16xi32>
        %add3A_815 = arith.constant 16 : i32
        %add3A_816 = vector.broadcast %add3A_815 : i32 to vector<16xi32>
        %add3A_817 = arith.addi %xor3A_18, %add3A_816 : vector<16xi32>
        %select_n3A_818 = arith.select %lt3A_814, %add3A_817, %xor3A_18 : vector<16xi1>, vector<16xi32>
        %broadcast_in_dim3A_819 = vector.shape_cast %select_n3A_818 : vector<16xi32> to vector<16x1xi32>
        %gather3A_820 = vector.shape_cast %broadcast_in_dim3A_819 : vector<16x1xi32> to vector<16xi32>
        %gather3A_821 = tpu.dynamic_gather %select_n3A_725[%gather3A_820] in [0] : vector<16xf32>, vector<16xi32> -> vector<16xf32>
        %add3A_822 = arith.addf %select_n3A_725, %gather3A_821 : vector<16xf32>
        %select_n3A_823 = arith.select %eq3A_731, %add3A_811, %add3A_822 : vector<16xi1>, vector<16xf32>
        %and3A_824 = arith.constant 4 : i32
        %and3A_825 = vector.broadcast %and3A_824 : i32 to vector<16xi32>
        %and3A_826 = arith.andi %iota3A, %and3A_825 : vector<16xi32>
        %eq3A_827 = arith.constant 0 : i32
        %eq3A_828 = vector.broadcast %eq3A_827 : i32 to vector<16xi32>
        %eq3A_829 = arith.cmpi eq, %and3A_826, %eq3A_828 : vector<16xi32>
        %lt3A_830 = arith.constant 0 : i32
        %lt3A_831 = vector.broadcast %lt3A_830 : i32 to vector<16xi32>
        %lt3A_832 = arith.cmpi slt, %xor3A_21, %lt3A_831 : vector<16xi32>
        %add3A_833 = arith.constant 16 : i32
        %add3A_834 = vector.broadcast %add3A_833 : i32 to vector<16xi32>
        %add3A_835 = arith.addi %xor3A_21, %add3A_834 : vector<16xi32>
        %select_n3A_836 = arith.select %lt3A_832, %add3A_835, %xor3A_21 : vector<16xi1>, vector<16xi32>
        %broadcast_in_dim3A_837 = vector.shape_cast %select_n3A_836 : vector<16xi32> to vector<16x1xi32>
        %gather3A_838 = vector.shape_cast %broadcast_in_dim3A_837 : vector<16x1xi32> to vector<16xi32>
        %gather3A_839 = tpu.dynamic_gather %select_n3A_754[%gather3A_838] in [0] : vector<16xf32>, vector<16xi32> -> vector<16xf32>
        %add3A_840 = arith.addf %select_n3A_754, %gather3A_839 : vector<16xf32>
        %lt3A_841 = arith.constant 0 : i32
        %lt3A_842 = vector.broadcast %lt3A_841 : i32 to vector<16xi32>
        %lt3A_843 = arith.cmpi slt, %xor3A_21, %lt3A_842 : vector<16xi32>
        %add3A_844 = arith.constant 16 : i32
        %add3A_845 = vector.broadcast %add3A_844 : i32 to vector<16xi32>
        %add3A_846 = arith.addi %xor3A_21, %add3A_845 : vector<16xi32>
        %select_n3A_847 = arith.select %lt3A_843, %add3A_846, %xor3A_21 : vector<16xi1>, vector<16xi32>
        %broadcast_in_dim3A_848 = vector.shape_cast %select_n3A_847 : vector<16xi32> to vector<16x1xi32>
        %gather3A_849 = vector.shape_cast %broadcast_in_dim3A_848 : vector<16x1xi32> to vector<16xi32>
        %gather3A_850 = tpu.dynamic_gather %select_n3A_777[%gather3A_849] in [0] : vector<16xf32>, vector<16xi32> -> vector<16xf32>
        %add3A_851 = arith.addf %select_n3A_777, %gather3A_850 : vector<16xf32>
        %select_n3A_852 = arith.select %eq3A_829, %add3A_840, %add3A_851 : vector<16xi1>, vector<16xf32>
        %lt3A_853 = arith.constant 0 : i32
        %lt3A_854 = vector.broadcast %lt3A_853 : i32 to vector<16xi32>
        %lt3A_855 = arith.cmpi slt, %xor3A_21, %lt3A_854 : vector<16xi32>
        %add3A_856 = arith.constant 16 : i32
        %add3A_857 = vector.broadcast %add3A_856 : i32 to vector<16xi32>
        %add3A_858 = arith.addi %xor3A_21, %add3A_857 : vector<16xi32>
        %select_n3A_859 = arith.select %lt3A_855, %add3A_858, %xor3A_21 : vector<16xi1>, vector<16xi32>
        %broadcast_in_dim3A_860 = vector.shape_cast %select_n3A_859 : vector<16xi32> to vector<16x1xi32>
        %gather3A_861 = vector.shape_cast %broadcast_in_dim3A_860 : vector<16x1xi32> to vector<16xi32>
        %gather3A_862 = tpu.dynamic_gather %select_n3A_800[%gather3A_861] in [0] : vector<16xf32>, vector<16xi32> -> vector<16xf32>
        %add3A_863 = arith.addf %select_n3A_800, %gather3A_862 : vector<16xf32>
        %lt3A_864 = arith.constant 0 : i32
        %lt3A_865 = vector.broadcast %lt3A_864 : i32 to vector<16xi32>
        %lt3A_866 = arith.cmpi slt, %xor3A_21, %lt3A_865 : vector<16xi32>
        %add3A_867 = arith.constant 16 : i32
        %add3A_868 = vector.broadcast %add3A_867 : i32 to vector<16xi32>
        %add3A_869 = arith.addi %xor3A_21, %add3A_868 : vector<16xi32>
        %select_n3A_870 = arith.select %lt3A_866, %add3A_869, %xor3A_21 : vector<16xi1>, vector<16xi32>
        %broadcast_in_dim3A_871 = vector.shape_cast %select_n3A_870 : vector<16xi32> to vector<16x1xi32>
        %gather3A_872 = vector.shape_cast %broadcast_in_dim3A_871 : vector<16x1xi32> to vector<16xi32>
        %gather3A_873 = tpu.dynamic_gather %select_n3A_823[%gather3A_872] in [0] : vector<16xf32>, vector<16xi32> -> vector<16xf32>
        %add3A_874 = arith.addf %select_n3A_823, %gather3A_873 : vector<16xf32>
        %select_n3A_875 = arith.select %eq3A_829, %add3A_863, %add3A_874 : vector<16xi1>, vector<16xf32>
        %and3A_876 = arith.constant 8 : i32
        %and3A_877 = vector.broadcast %and3A_876 : i32 to vector<16xi32>
        %and3A_878 = arith.andi %iota3A, %and3A_877 : vector<16xi32>
        %eq3A_879 = arith.constant 0 : i32
        %eq3A_880 = vector.broadcast %eq3A_879 : i32 to vector<16xi32>
        %eq3A_881 = arith.cmpi eq, %and3A_878, %eq3A_880 : vector<16xi32>
        %lt3A_882 = arith.constant 0 : i32
        %lt3A_883 = vector.broadcast %lt3A_882 : i32 to vector<16xi32>
        %lt3A_884 = arith.cmpi slt, %xor3A_24, %lt3A_883 : vector<16xi32>
        %add3A_885 = arith.constant 16 : i32
        %add3A_886 = vector.broadcast %add3A_885 : i32 to vector<16xi32>
        %add3A_887 = arith.addi %xor3A_24, %add3A_886 : vector<16xi32>
        %select_n3A_888 = arith.select %lt3A_884, %add3A_887, %xor3A_24 : vector<16xi1>, vector<16xi32>
        %broadcast_in_dim3A_889 = vector.shape_cast %select_n3A_888 : vector<16xi32> to vector<16x1xi32>
        %gather3A_890 = vector.shape_cast %broadcast_in_dim3A_889 : vector<16x1xi32> to vector<16xi32>
        %gather3A_891 = tpu.dynamic_gather %select_n3A_852[%gather3A_890] in [0] : vector<16xf32>, vector<16xi32> -> vector<16xf32>
        %add3A_892 = arith.addf %select_n3A_852, %gather3A_891 : vector<16xf32>
        %lt3A_893 = arith.constant 0 : i32
        %lt3A_894 = vector.broadcast %lt3A_893 : i32 to vector<16xi32>
        %lt3A_895 = arith.cmpi slt, %xor3A_24, %lt3A_894 : vector<16xi32>
        %add3A_896 = arith.constant 16 : i32
        %add3A_897 = vector.broadcast %add3A_896 : i32 to vector<16xi32>
        %add3A_898 = arith.addi %xor3A_24, %add3A_897 : vector<16xi32>
        %select_n3A_899 = arith.select %lt3A_895, %add3A_898, %xor3A_24 : vector<16xi1>, vector<16xi32>
        %broadcast_in_dim3A_900 = vector.shape_cast %select_n3A_899 : vector<16xi32> to vector<16x1xi32>
        %gather3A_901 = vector.shape_cast %broadcast_in_dim3A_900 : vector<16x1xi32> to vector<16xi32>
        %gather3A_902 = tpu.dynamic_gather %select_n3A_875[%gather3A_901] in [0] : vector<16xf32>, vector<16xi32> -> vector<16xf32>
        %add3A_903 = arith.addf %select_n3A_875, %gather3A_902 : vector<16xf32>
        %select_n3A_904 = arith.select %eq3A_881, %add3A_892, %add3A_903 : vector<16xi1>, vector<16xf32>
        %add3A_905 = arith.addf %select_n3A_904, %add3A_13 : vector<16xf32>
        %neg3A = arith.constant 0.000000e+00 : f32
        %neg3A_906 = vector.broadcast %neg3A : f32 to vector<16xf32>
        %neg3A_907 = arith.subf %neg3A_906, %add3A_905 : vector<16xf32>
        %exp3A = math.exp %neg3A_907 : vector<16xf32>
        %add3A_908 = arith.constant 1.000000e+00 : f32
        %add3A_909 = vector.broadcast %add3A_908 : f32 to vector<16xf32>
        %add3A_910 = arith.addf %add3A_909, %exp3A : vector<16xf32>
        %div3A = arith.constant 1.000000e+00 : f32
        %div3A_911 = vector.broadcast %div3A : f32 to vector<16xf32>
        %div3A_912 = arith.divf %div3A_911, %add3A_910 : vector<16xf32>
        %mul3A_913 = arith.constant 16 : i32
        %mul3A_914 = arith.muli %scan3A_140, %mul3A_913 : i32
        %multiple_of3A_915 = tpu.assume_multiple %mul3A_914, 16 : i32
        %add3A_916 = arith.addi %multiple_of3A, %multiple_of3A_915 : i32
        %swap3A = arith.index_cast %add3A_916 : i32 to index
        %swap3A_917 = tpu.vector_load %arg13[%swap3A] {strides = array<i32>} : memref<512xf32, #tpu.memory_space<vmem>>, vector<16xf32>,
        %swap3A_918 = vector.shape_cast %swap3A_917 : vector<16xf32> to vector<16xf32>
        %swap3A_919 = vector.shape_cast %div3A_912 : vector<16xf32> to vector<16xf32>
        tpu.vector_store %arg13[%swap3A], %swap3A_919 {strides = array<i32>} : memref<512xf32, #tpu.memory_space<vmem>>, vector<16xf32>,
      }
      %scan3A_139 = arith.constant 8 : i32
    }
    %scan3A_29 = arith.constant 4 : i32
    "tpu.region"() ({
      %run_scoped3A = tpu.sem_alloc : memref<!tpu.dma_semaphore, #tpu.memory_space<semaphore_mem>>
      %dma_start3A = tpu.memref_slice %arg7[%mul3A_2] : memref<16384xf32, #tpu.memory_space<hbm>> -> memref<512xf32, #tpu.memory_space<hbm>>
      %dma_start3A_30 = tpu.memref_slice %arg7[%mul3A_2] : memref<16384xf32, #tpu.memory_space<hbm>> -> memref<512xf32, #tpu.memory_space<hbm>>
      tpu.enqueue_dma source(%arg13 : memref<512xf32, #tpu.memory_space<vmem>>) target(%dma_start3A_30 : memref<512xf32, #tpu.memory_space<hbm>>) target_semaphore(%run_scoped3A : memref<!tpu.dma_semaphore, #tpu.memory_space<semaphore_mem>>)
      %dma_wait3A = tpu.memref_slice %arg7[%mul3A_2] : memref<16384xf32, #tpu.memory_space<hbm>> -> memref<512xf32, #tpu.memory_space<hbm>>
      %dma_wait3A_31 = tpu.memref_slice %arg7[%mul3A_2] : memref<16384xf32, #tpu.memory_space<hbm>> -> memref<512xf32, #tpu.memory_space<hbm>>
      tpu.wait_dma2 semaphore(%run_scoped3A : memref<!tpu.dma_semaphore, #tpu.memory_space<semaphore_mem>>) src(%arg13 : memref<512xf32, #tpu.memory_space<vmem>>) dst(%dma_wait3A_31 : memref<512xf32, #tpu.memory_space<hbm>>)
      tpu.yield
    }) : () -> ()
    return
  }
}

</mosaic_0001>

<sc_bundles>
// kernel: _gmf_call.3.cloned.1.call-start
scs
__scs_entry_jumppad:
0x0: {  	(pc) =	sbr.rel $0x88, $3  }
0x1: {  	(tag) =	ssettag $0x0;
	lr =	simm.s32 $0x1  }
0x2: {  	[smem:$0x3F9C] =	sst lr;
	_ =	strace $0xD0000000  }
0x3: {  	_ = 	snop  }
0x4: {  	_ = 	snop  }
0x5: {  	_ = 	snop  }
0x6: {  	_ = 	snop  }
0x7: {  	_ = 	snop  }
__scs_overlays_trampoline_lowered:
0x8: {  	[smem:$0x3FAB] =	sst s0  }
0x9: {  	[smem:$0x3FAC] =	sst s1  }
0xa: {  	[smem:$0x3FAD] =	sst s2  }
0xb: {  	[smem:$0x3FAE] =	sst s3  }
0xc: {  	[smem:$0x3FAF] =	sst s4  }
0xd: {  	[smem:$0x3FB0] =	sst s5  }
0xe: {  	[smem:$0x3FB1] =	sst s6  }
0xf: {  	[smem:$0x3FB2] =	sst s7  }
0x10: {  	[smem:$0x3FB3] =	sst s8  }
0x11: {  	[smem:$0x3FB4] =	sst s9;
	s0 =	simm.s32 @!p0 $0x0  }
0x12: {  	s1 =	sld [smem:$0x3F9A];
	s0 =	simm.s32 @p0 $0x1  }
0x13: {  	[smem:$0x3FB5] =	sst s0;
	s0 =	simm.s32 @!p1 $0x0  }
0x14: {  	s2 =	sld [smem:$0x3F99];
	s0 =	simm.s32 @p1 $0x1  }
0x15: {  	[smem:$0x3FB6] =	sst s0;
	s0 =	simm.s32 @!p2 $0x0  }
0x16: {  	s3 =	sld [smem:$0x3FDB];
	s0 =	simm.s32 @p2 $0x1  }
0x17: {  	s4 =	simm.s32 $0x1BF5;
	[smem:$0x3FB8] =	sst s0  }
0x18: {  	s0 =	sld [smem:$0x3F9B];
	_ =	swait.ge [sflag:s4], $0x0  }
0x19: {  	s7 =	sld [smem:$0x3F9C]  }
0x1a: {  	s8 =	sadd.s32 $0xFFFFE003, lr  }
0x1b: {  	s9 =	sadd.s32 $0xFFFFFEF7, lr;
	s5 =	simm.s32 $0xFFFFFFFF;
	p2 =	slt.u32 s8, $0xFFFFF086  }
0x1c: {  	p1 =	slt.u32 s9, $0xF7A;
	s5 =	simm.s32 @!p2 $0x0  }
0x1d: {  	s5 =	simm.s32 @p1 $0x1;
	p0 =	seq.s32 s7, s2  }
0x1e: {  	s7 =	smul.u32 @!p0 $0xF7A, s2;
	p2 =	seq.s32 @!p0 s5, $0x0  }
0x1f: {  	s9 =	smul.u32 $0xF7A, s1;
	s8 =	simm.s32 @!p0 $0x1BF5;
	p2 =	por !p2, p0  }
0x20: {  	[sflag:s8] =	ssyncset.s32 @!p0 $0xFFFFF086;
	s6 =	sadd.s32 @!p0 s3, s7;
	s7 =	simm.s32 @!p0 $0x108  }
0x21: {  	s3 =	sadd.s32 s3, s9;
	s6 =	sadd.s32 @!p0 $0x88, s6;
	s7 =	simm.s32 @p2 $0x1082  }
0x22: {  	[simem:s7], [sflag:s8] =	dma.local @!p0 [hbm:s6], $0xF7A  }
0x23: {  	s9 =	sor.u32 $0xD0000000, s2;
	s6 =	simm.s32 $0x108;
	_ =	swait.ge @!p0 [sflag:s8], $0x0  }
0x24: {  	s3 =	sadd.s32 $0x88, s3;
	s6 =	simm.s32 @!p1 $0x1082;
	[sflag:s4] =	ssyncset.s32 $0xFFFFF086  }
0x25: {  	[simem:s6], [sflag:s4] =	dma.local [hbm:s3], $0xF7A  }
0x26: {  	[smem:$0x3F9C] =	sst s1;
	(tag) =	ssettag s2;
	_ =	strace s9  }
0x27: {  	s1 =	sld [smem:$0x3FAC]  }
0x28: {  	s2 =	sld [smem:$0x3FAD]  }
0x29: {  	s4 =	sld [smem:$0x3FAF]  }
0x2a: {  	p0 =	seq.s32 s5, $0x0;
	s5 =	sld [smem:$0x3FB0]  }
0x2b: {  	s6 =	sld [smem:$0x3FB1]  }
0x2c: {  	s7 =	sld [smem:$0x3FB2]  }
0x2d: {  	s3 =	simm.s32 $0x108;
	s8 =	sld [smem:$0x3FB3]  }
0x2e: {  	s3 =	simm.s32 @!p0 $0x1082;
	s9 =	sld [smem:$0x3FB4]  }
0x2f: {  	lr =	sadd.s32 s0, s3;
	s0 =	sld [smem:$0x3FAB]  }
0x30: {  	s3 =	sld [smem:$0x3FAE]  }
0x31: {  	[smem:$0x3FB7] =	sst s10  }
0x32: {  	s10 =	sld [smem:$0x3FB5];
	_ =	sdelay $0x3  }
0x33: {  	p0 =	seq.s32 s10, $0x1;
	s10 =	sld [smem:$0x3FB7];
	_ =	sdelay $0x3  }
0x34: {  	[smem:$0x3FB7] =	sst s10  }
0x35: {  	s10 =	sld [smem:$0x3FB6];
	_ =	sdelay $0x3  }
0x36: {  	p1 =	seq.s32 s10, $0x1;
	s10 =	sld [smem:$0x3FB7];
	_ =	sdelay $0x3  }
0x37: {  	[smem:$0x3FB7] =	sst s10  }
0x38: {  	s10 =	sld [smem:$0x3FB8]  }
0x39: {  	_ = 	snop;
	(pc) =	sbr.ind lr, $3  }
0x3a: {  	_ = 	snop  }
0x3b: {  	_ = 	snop  }
0x3c: {  	p2 =	seq.s32 s10, $0x1;
	s10 =	sld [smem:$0x3FB7]  }
0x3d: {  	_ =	shalt  }
0x3e: {  	_ =	shalt  }
0x3f: {  	_ =	shalt  }
0x40: {  	_ =	shalt  }
0x41: {  	_ =	shalt  }
0x42: {  	_ =	shalt  }
0x43: {  	_ =	shalt  }
0x44: {  	_ =	shalt  }
0x45: {  	_ =	shalt  }
0x46: {  	_ =	shalt  }
0x47: {  	_ =	shalt  }
0x48: {  	_ =	shalt  }
0x49: {  	_ =	shalt  }
0x4a: {  	_ =	shalt  }
0x4b: {  	_ =	shalt  }
0x4c: {  	_ =	shalt  }
0x4d: {  	_ =	shalt  }
0x4e: {  	_ =	shalt  }
0x4f: {  	_ =	shalt  }
0x50: {  	_ =	shalt  }
0x51: {  	_ =	shalt  }
0x52: {  	_ =	shalt  }
0x53: {  	_ =	shalt  }
0x54: {  	_ =	shalt  }
0x55: {  	_ =	shalt  }
0x56: {  	_ =	shalt  }
0x57: {  	_ =	shalt  }
0x58: {  	_ =	shalt  }
0x59: {  	_ =	shalt  }
0x5a: {  	_ =	shalt  }
0x5b: {  	_ =	shalt  }
0x5c: {  	_ =	shalt  }
0x5d: {  	_ =	shalt  }
0x5e: {  	_ =	shalt  }
0x5f: {  	_ =	shalt  }
0x60: {  	_ =	shalt  }
0x61: {  	_ =	shalt  }
0x62: {  	_ =	shalt  }
0x63: {  	_ =	shalt  }
0x64: {  	_ =	shalt  }
0x65: {  	_ =	shalt  }
0x66: {  	_ =	shalt  }
0x67: {  	_ =	shalt  }
0x68: {  	_ =	shalt  }
0x69: {  	_ =	shalt  }
0x6a: {  	_ =	shalt  }
0x6b: {  	_ =	shalt  }
0x6c: {  	_ =	shalt  }
0x6d: {  	_ =	shalt  }
0x6e: {  	_ =	shalt  }
0x6f: {  	_ =	shalt  }
0x70: {  	_ =	shalt  }
0x71: {  	_ =	shalt  }
0x72: {  	_ =	shalt  }
0x73: {  	_ =	shalt  }
0x74: {  	_ =	shalt  }
0x75: {  	_ =	shalt  }
0x76: {  	_ =	shalt  }
0x77: {  	_ =	shalt  }
0x78: {  	_ =	shalt  }
0x79: {  	_ =	shalt  }
0x7a: {  	_ =	shalt  }
0x7b: {  	_ =	shalt  }
0x7c: {  	_ =	shalt  }
0x7d: {  	_ =	shalt  }
0x7e: {  	_ =	shalt  }
0x7f: {  	_ =	shalt  }
0x80: {  	_ =	shalt  }
0x81: {  	_ =	shalt  }
0x82: {  	_ =	shalt  }
0x83: {  	_ =	shalt  }
0x84: {  	_ =	shalt  }
0x85: {  	_ =	shalt  }
0x86: {  	_ =	shalt  }
0x87: {  	_ =	shalt  }
.Lfunc_end0:
.L_simem_size_0:
called_computation_lowered:
.L_overlay_start_0:
0x88: {  	s2 =	sld [smem:$0x3FD9]  }
0x89: {  	s3 =	sld [smem:$0x3FFE];
	_ =	sdelay $0x1  }
0x8a: {  	s1 =	srdreg.scid  }
0x8b: {  	s0 =	sand.u32 $0x1, s1  }
0x8c: {  	s17 =	sshll.u32 s0, $0xA;
	s2 =	sadd.s32 s3, s2  }
0x8d: {  	s2 =	sadd.s32 s2, s17  }
0x8e: {  	[smem:$0x3FC3] =	sst s2  }
0x8f: {  	_ = 	snop  }
0x90: {  	s2 =	sld [smem:$0x3FC9]  }
0x91: {  	s18 =	sld [smem:$0x3FC8]  }
0x92: {  	s4 =	sld [smem:$0x3FC7]  }
0x93: {  	s5 =	sld [smem:$0x3FD0];
	(tm) =	ssettm $0x1  }
0x94: {  	s6 =	sld [smem:$0x3FFB];
	_ =	sdelay $0x3  }
0x95: {  	_ =	strace s6  }
0x96: {  	s6 =	sld [smem:$0x3FFC];
	_ =	sdelay $0x3  }
0x97: {  	_ =	strace s6  }
0x98: {  	s6 =	sld [smem:$0x3FFD];
	_ =	sdelay $0x3  }
0x99: {  	_ =	strace s6  }
0x9a: {  	_ =	strace $0x8FFFFFFF  }
0x9b: {  	s19 =	sld [smem:$0x3FDB];
	_ =	sdelay $0x1  }
0x9c: {  	s7 =	simm.s32 $_scs_section_size  }
0x9d: {  	s8 =	simm.s32 $_size__tile_overlayer_lowered;
	s9 =	simm.s32 $_tile_overlayer_lowered  }
0x9e: {  	s22 =	simm.s32 $0x1BFF;
	s21 =	sshll.u32 s9, $0x1;
	s6 =	sadd.s32 s7, s19  }
0x9f: {  	s10 =	simm.s32 $0x0;
	s20 =	sshll.u32 s8, $0x1;
	s8 =	sadd.s32 s21, s6  }
0xa0: {  	[timem:s10], [sflag:s22] =	dma.local [hbm:s8], s20  }
0xa1: {  	_ =	swait.ge [sflag:s22], s20  }
0xa2: {  	s7 =	ssub.s32 $0x0, s20;
	[sflag:s22] =	ssyncset.done $0x0  }
0xa3: {  	[sflag:s22] =	ssyncadd.s32 s7;
	_ =	sdelay $0x1  }
0xa4: {  	s23 =	simm.s32 $0x1B8B  }
0xa5: {  	_ =	swait.ge [sflag:s23], $0x1  }
0xa6: {  	[sflag:s23] =	ssyncset.done $0x0  }
0xa7: {  	s25 =	simm.s32 $0x1B8E;
	s24 =	sld [smem:$0x3FFE];
	[sflag:s23] =	ssyncadd.s32 $0xFFFFFFFF  }
0xa8: {  	s26 =	simm.s32 $execute0_lowered;
	[smem:$0x3FD2] =	sst s25  }
0xa9: {  	s8 =	sshll.u32 s26, $0x1;
	_ =	strace $0x80000046;
	[dreg:$0x1] =	wrdreg $0xFFFFFFFF  }
0xaa: {  	s28 =	simm.s32 $_size_execute0_lowered;
	s6 =	sadd.s32 s6, s8;
	[dreg:$0x0] =	wrdreg $0x0  }
0xab: {  	s8 =	sshll.u32 s28, $0x1;
	[dreg:$0x2] =	wrdreg s6  }
0xac: {  	[dreg:$0x3] =	wrdreg s8  }
0xad: {  	[dreg:$0x4] =	wrdreg $0xC0  }
0xae: {  	_ =	task [dreg:s10], $0x5FFFF  }
0xaf: {  	[dreg:$0x1] =	wrdreg $0xFFFFFFFF  }
0xb0: {  	[dreg:$0x0] =	wrdreg $0x60  }
0xb1: {  	[dreg:$0x2] =	wrdreg s2  }
0xb2: {  	[dreg:$0x3] =	wrdreg s18  }
0xb3: {  	[dreg:$0x4] =	wrdreg s4  }
0xb4: {  	[dreg:$0x5] =	wrdreg s24  }
0xb5: {  	[dreg:$0x6] =	wrdreg s5  }
0xb6: {  	[dreg:$0x7] =	wrdreg $0x9  }
0xb7: {  	_ =	task.clear_ibuf [dreg:s10], $0x8FFFF;
	_ =	strace $0x90000046  }
0xb8: {  	s29 =	simm.s32 $0x9;
	_ =	strace $0x80000048  }
0xb9: {  	_ =	swait.ge [sflag:s29], $0x1  }
0xba: {  	[sflag:s29] =	ssyncadd.s32 $0xFFFFFFFF  }
0xbb: {  	_ =	strace $0x90000048  }
0xbc: {  	_ =	sfence  }
0xbd: {  	s30 =	sld [smem:$0x0];
	_ =	sdelay $0x2  }
0xbe: {  	s31 =	sshll.u32 s1, $0xD;
	s1 =	sshrl.u32 s1, $0x2  }
0xbf: {  	s3 =	sand.u32 $0x4000, s31;
	s1 =	sadd.s32 s1, s30  }
0xc0: {  	s0 =	sor.u32 s3, s0;
	s1 =	sshll.u32 s1, $0x11  }
0xc1: {  	s0 =	sor.u32 s1, s0  }
0xc2: {  	s0 =	sadd.s32 $0x8F2B, s0  }
0xc3: {  	[sflag:s0] =	ssyncadd.remote.s32 $0x1  }
0xc4: {  	_ =	sfence.sel $0xFFFF  }
0xc5: {  	[dreg:$0x0] =	wrdreg $0xFFFFFFFF;
	(pc) =	sbr.abs _section_cstart, $3  }
0xc6: {  	[dreg:$0x1] =	wrdreg $0xFFFFFFFF  }
0xc7: {  	_ =	task.clear_ibuf [dreg:s10], $0x2FFFF;
	_ =	strace $0x9FFFFFFF  }
0xc8: {  	(tm) =	ssettm $0x7FFFFFFF  }
0xc9: {  	_ =	shalt  }
tec
execute0_lowered:
.L_overlay_start_1:
0x0: {  	(tag) =	ssettag $0x1  }
0x1: {  	v0 =	vimm.s32 $0xEFCDAB89  }
0x2: {  	vm0 =	vcmask $0xB08;
	vm1 =	vcmask $0x300;
	v1 =	vimm.s32 $0x67452301  }
0x3: {  	v2 =	vimm.s32 $0xDCFE98BA;
	v3 =	vimm.s32 $0x54761032;
	vm2 =	vcmask $0x700  }
0x4: {  	vm3 =	vcmask $0x3B38;
	v4 =	vimm.s32 $0xFEDCBA98;
	v5 =	vimm.s32 $0x76543210  }
0x5: {  	v0 =	vunpack.c.l.s4.s8 v0;
	vm0 =	vmor vm1, vm0;
	vm1 =	vcmask $0x1310  }
0x6: {  	v1 =	vunpack.c.l.s4.s8 v1;
	v2 =	vunpack.c.l.s4.s8 v2;
	v3 =	vunpack.c.l.s4.s8 v3  }
0x7: {  	v4 =	vunpack.c.l.s4.s8 v4;
	vm0 =	vmor vm0, vm1;
	vm1 =	vcmask $0x1B18  }
0x8: {  	v0 =	vunpack.c.0.s8.s32 v0;
	vm0 =	vmor vm0, vm1;
	vm1 =	vcmask $0x2320  }
0x9: {  	s0 =	rddreg [dreg:$0x0];
	v1 =	vunpack.c.0.s8.s32 v1;
	vm0 =	vmor vm0, vm1;
	vm1 =	vcmask $0x2B28  }
0xa: {  	s1 =	rddreg [dreg:$0x1];
	v4 =	vunpack.c.0.s8.s32 v4;
	vm0 =	vmor vm0, vm1;
	vm1 =	vcmask $0x3330  }
0xb: {  	s3 =	rddreg [dreg:$0x3];
	v0 =	vcombine.low v1, v0;
	v1 =	vunpack.c.0.s8.s32 v2;
	v2 =	vunpack.c.0.s8.s32 v3  }
0xc: {  	s6 =	rddreg [dreg:$0x4];
	s4 =	srdreg.scid;
	v3 =	vimm.s32 $0x32107654;
	vm0 =	vmor vm0, vm1;
	vm1 =	vcmask $0x1710  }
0xd: {  	s10 =	simm.s32 $0x0;
	s2 =	stileid.u32;
	s4 =	sand.u32 $0x1, s4;
	v3 =	vunpack.c.l.s4.s8 v3;
	v1 =	vcombine.low v2, v1;
	v2 =	vimm.s32 $0xBA98FEDC  }
0xe: {  	s31 =	simm.s32 $0x0;
	s5 =	sshll.u32 s2, $0x7;
	s8 =	sshll.u32 s4, $0x6;
	vm1 =	vmor vm2, vm1;
	vm2 =	vcmask $0x2720;
	v2 =	vunpack.c.l.s4.s8 v2  }
0xf: {  	[smem:$0x7FF] =	sst s10;
	v5 =	vunpack.c.l.s4.s8 v5;
	s2 =	simm.s32 $0x0;
	s8 =	sor.u32 s8, s5;
	v4 =	vand.u32 $0xF, v4;
	vm1 =	vmor vm1, vm2  }
0x10: {  	_ =	strace $0x80000047;
	s7 =	ssub.s32 $0x2, s4;
	s0 =	sadd.s32 s0, s8;
	vm2 =	vcmask $0x3730;
	v3 =	vunpack.c.0.s8.s32 v3;
	v2 =	vunpack.c.0.s8.s32 v2  }
0x11: {  	s9 =	sshrl.u32 s7, $0x1;
	s28 =	sadd.s32 s1, s8;
	[dreg:$0xf] =	wrdreg s0;
	vm0 =	vmor vm0, vm3;
	vm3 =	vcmask $0xF00;
	vm1 =	vmor vm1, vm2  }
0x12: {  	s26 =	ssub.s32 s7, s9;
	s29 =	sadd.s32 s6, s8;
	[dreg:$0x10] =	wrdreg s28;
	vm2 =	vcmask $0x2F20;
	v2 =	vcombine.low v3, v2;
	v3 =	vunpack.c.0.s8.s32 v5  }
0x13: {  	s4 =	sadd.s32 $0x400, s3;
	[dreg:$0x11] =	wrdreg s29;
	s30 =	smax.u32 s26, $0x1;
	v0 =	vand.u32 $0xF, v0;
	v1 =	vand.u32 $0xF, v1;
	vm2 =	vmor vm3, vm2  }
0x14: {  	s5 =	sadd.s32 $0xF42800, s3;
	s1 =	simm.s32 $0x9;
	[dreg:$0x12] =	wrdreg s30;
	vm3 =	vmmov $0xff;
	v2 =	vand.u32 $0xF, v2;
	v3 =	vcombine.low v4, v3  }
.LBB2_1:
0x15: {  	[dreg:$0x13] =	wrdreg s2  }
0x16: {  	s0 =	rddreg [dreg:$0xf]  }
0x17: {  	[tilespmem:s10], [sflag:$0x9] =	stream.linear.gather [hbm4b:s0+s10], $0x200, $0x38;
	[tilespmem:$0x8680] =	vst v63  }
0x18: {  	_ =	swait.ge [sflag:s1], $0x200  }
0x19: {  	[sflag:s1] =	ssyncset.done $0x0  }
0x1a: {  	s14 =	simm.s32 $0x200;
	s28 =	rddreg [dreg:$0x10];
	[sflag:s1] =	ssyncadd.s32 $0xFFFFFE00  }
0x1b: {  	[tilespmem:s14], [sflag:$0x9] =	stream.linear.gather [hbm4b:s28+s10], $0x200, $0x38;
	[tilespmem:$0x8680] =	vst v63  }
0x1c: {  	_ =	swait.ge [sflag:s1], $0x200  }
0x1d: {  	[sflag:s1] =	ssyncset.done $0x0  }
0x1e: {  	[sflag:s1] =	ssyncadd.s32 $0xFFFFFE00  }
0x1f: {  	s30 =	simm.s32 $0x8400;
	s29 =	rddreg [dreg:$0x2]  }
0x20: {  	[tilespmem:s30], [sflag:$0x9] =	stream.linear.gather [hbm4b:s29+s10], $0x80, $0x38;
	[tilespmem:$0x8680] =	vst v63  }
0x21: {  	_ =	swait.ge [sflag:s1], $0x80  }
0x22: {  	[sflag:s1] =	ssyncset.done $0x0  }
0x23: {  	[sflag:s1] =	ssyncadd.s32 $0xFFFFFF80  }
0x24: {  	v4 =	vld [tilespmem:$0x8420];
	_ =	sdelay $0x3  }
0x25: {  	v5 =	vld [tilespmem:$0x8410]  }
0x26: {  	v6 =	vadd.f32 $0.0e+00, v4;
	v4 =	vld [tilespmem:$0x8400];
	_ =	sdelay $0x1  }
0x27: {  	s2 =	simm.s32 $0x0;
	s3 =	simm.s32 $0x0;
	s1 =	simm.s32 $0x8480;
	v6 =	vbroadcast v6, $0x0  }
.LBB2_2:
0x28: {  	v7 =	vld [tilespmem:s2+$0x0]  }
0x29: {  	v9 =	vld [tilespmem:s14+$0x0];
	_ =	sdelay $0x3  }
0x2a: {  	v8 =	vshll.u32 v7, $0x4  }
0x2b: {  	v7 =	vshll.u32 v9, $0x4;
	(v2sf) =	vpush v8, $0x0  }
0x2c: {  	(v2sf) =	vpush v7, $0x0  }
0x2d: {  	(v2sf) =	vpush v8, $0x1;
	_ =	sdelay $0x2  }
0x2e: {  	(v2sf) =	vpush v7, $0x1;
	_ =	sdelay $0x1  }
0x2f: {  	(v2sf) =	vpush v8, $0x2;
	_ =	sdelay $0x1  }
0x30: {  	(v2sf) =	vpush v7, $0x2  }
0x31: {  	[dreg:$0x17] =	wrdreg s3  }
0x32: {  	[dreg:$0x15] =	wrdreg s1;
	(v2sf) =	vpush v8, $0x3  }
0x33: {  	s28 =	simm.s32 $0x2000;
	s26 =	simm.s32 $0x0;
	s6 =	simm.s32 $0x4400  }
0x34: {  	s3 =	simm.s32 $0x680;
	s1 =	simm.s32 $0x880;
	s7 =	simm.s32 $0x400  }
0x35: {  	s13 =	simm.s32 $0x600;
	s0 =	simm.s32 $0x4900;
	s11 =	simm.s32 $0x580  }
0x36: {  	s16 =	simm.s32 $0x4480;
	s18 =	simm.s32 $0x500;
	s8 =	spop (v2sf);
	(v2sf) =	vpush v7, $0x3  }
0x37: {  	s21 =	simm.s32 $0x4500;
	s8 =	sand.u32 $0x1FFFFFF0, s8;
	s9 =	spop (v2sf)  }
0x38: {  	s25 =	simm.s32 $0x4600;
	(v2sf) =	vpush v8, $0x4;
	s8 =	sadd.s32 s4, s8;
	s30 =	spop (v2sf)  }
0x39: {  	[tilespmem:s7], [sflag:$0x1] =	stream.linear.gather [hbm4b:s8+s10], $0x80, $0x38;
	[tilespmem:$0x8680] =	vst v63  }
0x3a: {  	[dreg:$0x14] =	wrdreg s14;
	s29 =	sand.u32 $0x1FFFFFF0, s9;
	s9 =	sand.u32 $0x1FFFFFF0, s30  }
0x3b: {  	(v2sf) =	vpush v7, $0x4;
	s8 =	sadd.s32 s5, s29;
	s12 =	spop (v2sf);
	s9 =	sadd.s32 s4, s9  }
0x3c: {  	[tilespmem:s6], [sflag:$0x5] =	stream.linear.gather [hbm4b:s8+s10], $0x80, $0x38;
	[tilespmem:$0x8680] =	vst v63  }
0x3d: {  	(v2sf) =	vpush v8, $0x5;
	s15 =	sand.u32 $0x1FFFFFF0, s12;
	s17 =	spop (v2sf);
	s8 =	simm.s32 $0x480  }
0x3e: {  	(v2sf) =	vpush v7, $0x5;
	[tilespmem:s8], [sflag:$0x2] =	stream.linear.gather [hbm4b:s9+s10], $0x80, $0x38;
	[tilespmem:$0x8680] =	vst v63  }
0x3f: {  	s19 =	spop (v2sf);
	s9 =	sadd.s32 s5, s15;
	s8 =	sand.u32 $0x1FFFFFF0, s17  }
0x40: {  	(v2sf) =	vpush v8, $0x6;
	[tilespmem:s16], [sflag:$0x6] =	stream.linear.gather [hbm4b:s9+s10], $0x80, $0x38;
	[tilespmem:$0x8680] =	vst v63  }
0x41: {  	s20 =	spop (v2sf);
	s8 =	sadd.s32 s4, s8;
	s9 =	sand.u32 $0x1FFFFFF0, s19  }
0x42: {  	[tilespmem:s18], [sflag:$0x3] =	stream.linear.gather [hbm4b:s8+s10], $0x80, $0x38;
	[tilespmem:$0x8680] =	vst v63  }
0x43: {  	[dreg:$0x16] =	wrdreg s2;
	(v2sf) =	vpush v7, $0x6;
	s12 =	sand.u32 $0x1FFFFFF0, s20;
	s22 =	sadd.s32 s5, s9  }
0x44: {  	[tilespmem:s21], [sflag:$0x7] =	stream.linear.gather [hbm4b:s22+s10], $0x80, $0x38;
	[tilespmem:$0x8680] =	vst v63  }
0x45: {  	s7 =	simm.s32 $0x4580;
	s24 =	sadd.s32 s4, s12;
	s23 =	spop (v2sf)  }
0x46: {  	[tilespmem:s11], [sflag:$0x4] =	stream.linear.gather [hbm4b:s24+s10], $0x80, $0x38;
	[tilespmem:$0x8680] =	vst v63  }
0x47: {  	s15 =	simm.s32 $0x4A00;
	(v2sf) =	vpush v8, $0x7;
	s6 =	sand.u32 $0x1FFFFFF0, s23;
	s29 =	spop (v2sf)  }
0x48: {  	s17 =	simm.s32 $0x700;
	s6 =	sadd.s32 s5, s6;
	s11 =	sand.u32 $0x1FFFFFF0, s29  }
0x49: {  	(v2sf) =	vpush v7, $0x7;
	[tilespmem:s7], [sflag:$0x8] =	stream.linear.gather [hbm4b:s6+s10], $0x80, $0x38;
	[tilespmem:$0x8680] =	vst v63  }
0x4a: {  	s12 =	simm.s32 $0x4680;
	s30 =	spop (v2sf);
	(v2sf) =	vpush v8, $0x8;
	s9 =	sadd.s32 s4, s11  }
0x4b: {  	[tilespmem:s13], [sflag:$0x1] =	stream.linear.gather [hbm4b:s9+s10], $0x80, $0x38;
	[tilespmem:$0x8680] =	vst v63  }
0x4c: {  	s16 =	simm.s32 $0xA80;
	s11 =	sand.u32 $0x1FFFFFF0, s30;
	(v2sf) =	vpush v7, $0x8;
	s13 =	spop (v2sf)  }
0x4d: {  	s7 =	sadd.s32 s5, s11;
	s18 =	sand.u32 $0x1FFFFFF0, s13;
	s19 =	spop (v2sf)  }
0x4e: {  	(v2sf) =	vpush v8, $0x9;
	[tilespmem:s25], [sflag:$0x5] =	stream.linear.gather [hbm4b:s7+s10], $0x80, $0x38;
	[tilespmem:$0x8680] =	vst v63  }
0x4f: {  	(v2sf) =	vpush v7, $0x9;
	s8 =	sadd.s32 s4, s18;
	s9 =	sand.u32 $0x1FFFFFF0, s19;
	s20 =	spop (v2sf)  }
0x50: {  	s25 =	simm.s32 $0x4700;
	s7 =	simm.s32 $0x780;
	s19 =	simm.s32 $0x800  }
0x51: {  	(v2sf) =	vpush v8, $0xA;
	[tilespmem:s3], [sflag:$0x2] =	stream.linear.gather [hbm4b:s8+s10], $0x80, $0x38;
	[tilespmem:$0x8680] =	vst v63  }
0x52: {  	s21 =	sadd.s32 s5, s9;
	s22 =	sand.u32 $0x1FFFFFF0, s20;
	s23 =	spop (v2sf);
	(v2sf) =	vpush v7, $0xA  }
0x53: {  	[tilespmem:s12], [sflag:$0x6] =	stream.linear.gather [hbm4b:s21+s10], $0x80, $0x38;
	[tilespmem:$0x8680] =	vst v63  }
0x54: {  	s3 =	simm.s32 $0x4980;
	s24 =	sadd.s32 s4, s22;
	s6 =	sand.u32 $0x1FFFFFF0, s23  }
0x55: {  	[tilespmem:s17], [sflag:$0x3] =	stream.linear.gather [hbm4b:s24+s10], $0x80, $0x38;
	[tilespmem:$0x8680] =	vst v63  }
0x56: {  	s22 =	simm.s32 $0x4800;
	s6 =	sadd.s32 s5, s6;
	s29 =	spop (v2sf)  }
0x57: {  	[tilespmem:s25], [sflag:$0x7] =	stream.linear.gather [hbm4b:s6+s10], $0x80, $0x38;
	[tilespmem:$0x8680] =	vst v63  }
0x58: {  	s12 =	simm.s32 $0x4A80;
	(v2sf) =	vpush v8, $0xB;
	s8 =	sand.u32 $0x1FFFFFF0, s29;
	s30 =	spop (v2sf)  }
0x59: {  	s11 =	sadd.s32 s4, s8;
	s13 =	sand.u32 $0x1FFFFFF0, s30;
	s18 =	spop (v2sf)  }
0x5a: {  	(v2sf) =	vpush v7, $0xB;
	[tilespmem:s7], [sflag:$0x4] =	stream.linear.gather [hbm4b:s11+s10], $0x80, $0x38;
	[tilespmem:$0x8680] =	vst v63  }
0x5b: {  	s17 =	simm.s32 $0x4780;
	s8 =	sadd.s32 s5, s13;
	s20 =	spop (v2sf)  }
0x5c: {  	[tilespmem:s17], [sflag:$0x8] =	stream.linear.gather [hbm4b:s8+s10], $0x80, $0x38;
	[tilespmem:$0x8680] =	vst v63  }
0x5d: {  	s25 =	simm.s32 $0x4880;
	s7 =	sand.u32 $0x1FFFFFF0, s18;
	s21 =	spop (v2sf)  }
0x5e: {  	(v2sf) =	vpush v8, $0xC;
	s7 =	sadd.s32 s4, s7;
	s8 =	sand.u32 $0x1FFFFFF0, s20;
	s29 =	spop (v2sf)  }
0x5f: {  	[tilespmem:s19], [sflag:$0x1] =	stream.linear.gather [hbm4b:s7+s10], $0x80, $0x38;
	[tilespmem:$0x8680] =	vst v63  }
0x60: {  	s30 =	simm.s32 $0x900;
	(v2sf) =	vpush v7, $0xC;
	s23 =	sadd.s32 s5, s8;
	s11 =	spop (v2sf)  }
0x61: {  	s24 =	sand.u32 $0x1FFFFFF0, s21;
	s7 =	sand.u32 $0x1FFFFFF0, s29;
	s13 =	spop (v2sf)  }
0x62: {  	[tilespmem:s22], [sflag:$0x5] =	stream.linear.gather [hbm4b:s23+s10], $0x80, $0x38;
	[tilespmem:$0x8680] =	vst v63  }
0x63: {  	s8 =	sadd.s32 s4, s24;
	s7 =	sadd.s32 s5, s7;
	s18 =	sand.u32 $0x1FFFFFF0, s13  }
0x64: {  	[tilespmem:s1], [sflag:$0x2] =	stream.linear.gather [hbm4b:s8+s10], $0x80, $0x38;
	[tilespmem:$0x8680] =	vst v63  }
0x65: {  	s23 =	simm.s32 $0x980;
	s20 =	sadd.s32 s5, s18;
	s8 =	sand.u32 $0x1FFFFFF0, s11  }
0x66: {  	[tilespmem:s25], [sflag:$0x6] =	stream.linear.gather [hbm4b:s7+s10], $0x80, $0x38;
	[tilespmem:$0x8680] =	vst v63  }
0x67: {  	s1 =	sadd.s32 $0x10, s14;
	s17 =	sadd.s32 s4, s8;
	s19 =	spop (v2sf)  }
0x68: {  	[tilespmem:s30], [sflag:$0x3] =	stream.linear.gather [hbm4b:s17+s10], $0x80, $0x38;
	[tilespmem:$0x8680] =	vst v63  }
0x69: {  	s11 =	simm.s32 $0xB00;
	s21 =	sand.u32 $0x1FFFFFF0, s19;
	s22 =	spop (v2sf)  }
0x6a: {  	(v2sf) =	vpush v8, $0xD;
	[tilespmem:s0], [sflag:$0x7] =	stream.linear.gather [hbm4b:s20+s10], $0x80, $0x38;
	[tilespmem:$0x8680] =	vst v63  }
0x6b: {  	(v2sf) =	vpush v7, $0xD;
	s24 =	sadd.s32 s4, s21;
	s25 =	sand.u32 $0x1FFFFFF0, s22;
	s20 =	simm.s32 $0xA00  }
0x6c: {  	(v2sf) =	vpush v8, $0xE;
	[tilespmem:s23], [sflag:$0x4] =	stream.linear.gather [hbm4b:s24+s10], $0x80, $0x38;
	[tilespmem:$0x8680] =	vst v63  }
0x6d: {  	s0 =	simm.s32 $0x4B00;
	s29 =	sadd.s32 s5, s25;
	(v2sf) =	vpush v7, $0xE;
	s30 =	spop (v2sf)  }
0x6e: {  	(v2sf) =	vpush v8, $0xF;
	[tilespmem:s3], [sflag:$0x8] =	stream.linear.gather [hbm4b:s29+s10], $0x80, $0x38;
	[tilespmem:$0x8680] =	vst v63  }
0x6f: {  	s6 =	sand.u32 $0x1FFFFFF0, s30;
	(v2sf) =	vpush v7, $0xF;
	s7 =	spop (v2sf);
	s3 =	sadd.s32 $0x10, s2  }
.LBB2_3:
0x70: {  	_ =	sdelay $0x4  }
0x71: {  	s6 =	sadd.s32 s4, s6;
	s7 =	sand.u32 $0x1FFFFFF0, s7  }
0x72: {  	[tilespmem:s20], [sflag:$0x1] =	stream.linear.gather [hbm4b:s6+s10], $0x80, $0x38;
	[tilespmem:$0x8680] =	vst v63  }
0x73: {  	s7 =	sadd.s32 s5, s7  }
0x74: {  	[tilespmem:s15], [sflag:$0x5] =	stream.linear.gather [hbm4b:s7+s10], $0x80, $0x38;
	[tilespmem:$0x8680] =	vst v63  }
0x75: {  	s8 =	spop (v2sf)  }
0x76: {  	s8 =	sand.u32 $0x1FFFFFF0, s8;
	s9 =	spop (v2sf)  }
0x77: {  	s13 =	sadd.s32 s4, s8;
	s14 =	sand.u32 $0x1FFFFFF0, s9;
	s15 =	spop (v2sf)  }
0x78: {  	[tilespmem:s16], [sflag:$0x2] =	stream.linear.gather [hbm4b:s13+s10], $0x80, $0x38;
	[tilespmem:$0x8680] =	vst v63  }
0x79: {  	s17 =	sadd.s32 s5, s14;
	s18 =	sand.u32 $0x1FFFFFF0, s15;
	s19 =	spop (v2sf)  }
0x7a: {  	[tilespmem:s12], [sflag:$0x6] =	stream.linear.gather [hbm4b:s17+s10], $0x80, $0x38;
	[tilespmem:$0x8680] =	vst v63  }
0x7b: {  	s20 =	sadd.s32 s4, s18;
	s21 =	sand.u32 $0x1FFFFFF0, s19;
	s22 =	spop (v2sf)  }
0x7c: {  	[tilespmem:s11], [sflag:$0x3] =	stream.linear.gather [hbm4b:s20+s10], $0x80, $0x38;
	[tilespmem:$0x8680] =	vst v63  }
0x7d: {  	s23 =	sadd.s32 s5, s21;
	s24 =	sand.u32 $0x1FFFFFF0, s22;
	s25 =	spop (v2sf)  }
0x7e: {  	[tilespmem:s0], [sflag:$0x7] =	stream.linear.gather [hbm4b:s23+s10], $0x80, $0x38;
	[tilespmem:$0x8680] =	vst v63  }
0x7f: {  	s29 =	sadd.s32 $0xB80, s26;
	s30 =	sadd.s32 s4, s24;
	s2 =	sand.u32 $0x1FFFFFF0, s25  }
0x80: {  	[tilespmem:s29], [sflag:$0x4] =	stream.linear.gather [hbm4b:s30+s10], $0x80, $0x38;
	[tilespmem:$0x8680] =	vst v63  }
0x81: {  	s8 =	sadd.s32 $0x4B80, s26;
	s9 =	sadd.s32 s5, s2  }
0x82: {  	[tilespmem:s8], [sflag:$0x8] =	stream.linear.gather [hbm4b:s9+s10], $0x80, $0x38;
	[tilespmem:$0x8680] =	vst v63  }
0x83: {  	v7 =	vld [tilespmem:s3+$0x0]  }
0x84: {  	v9 =	vld [tilespmem:s1+$0x0];
	_ =	sdelay $0x3  }
0x85: {  	v8 =	vshll.u32 v7, $0x4  }
0x86: {  	v7 =	vshll.u32 v9, $0x4;
	(v2sf) =	vpush v8, $0x0  }
0x87: {  	(v2sf) =	vpush v7, $0x0  }
0x88: {  	(v2sf) =	vpush v8, $0x1  }
0x89: {  	p0 =	sne.s32 s28, $0xE000;
	s10 =	smov.u32 s28  }
0x8a: {  	s28 =	sadd.s32 $0x2000, s28;
	s26 =	sshra.s32 s10, $0x2;
	s1 =	sadd.s32 $0x10, s1;
	(v2sf) =	vpush v7, $0x1  }
0x8b: {  	s3 =	sadd.s32 $0x10, s3;
	s7 =	sadd.s32 $0x4400, s26;
	s14 =	sadd.s32 $0x680, s26  }
0x8c: {  	s0 =	sadd.s32 $0x880, s26;
	s9 =	sadd.s32 $0x400, s26;
	s25 =	sadd.s32 $0x600, s26  }
0x8d: {  	s11 =	sadd.s32 $0x4900, s26;
	s23 =	sadd.s32 $0x580, s26;
	s24 =	sadd.s32 $0x4580, s26;
	(v2sf) =	vpush v8, $0x2  }
0x8e: {  	s12 =	sadd.s32 $0x4A00, s26;
	s6 =	sadd.s32 $0x500, s26;
	s22 =	sadd.s32 $0x4600, s26  }
0x8f: {  	s13 =	sadd.s32 $0xA80, s26;
	s8 =	sadd.s32 $0x4480, s26;
	[dreg:$0x8] =	wrdreg s0;
	(v2sf) =	vpush v7, $0x2  }
0x90: {  	s29 =	sadd.s32 $0x4500, s26;
	s19 =	sadd.s32 $0x4680, s26;
	[dreg:$0x6] =	wrdreg s11  }
0x91: {  	s18 =	sadd.s32 $0x700, s26;
	s15 =	sadd.s32 $0x4980, s26;
	[dreg:$0xc] =	wrdreg s12;
	(v2sf) =	vpush v8, $0x3  }
0x92: {  	s17 =	sadd.s32 $0x4700, s26;
	s16 =	sadd.s32 $0x4880, s26;
	[dreg:$0xe] =	wrdreg s13;
	(v2sf) =	vpush v7, $0x3  }
0x93: {  	s20 =	sadd.s32 $0x900, s26;
	s21 =	sadd.s32 $0x4800, s26;
	[dreg:$0x7] =	wrdreg s15  }
0x94: {  	s10 =	sadd.s32 $0x480, s26;
	s2 =	sadd.s32 $0x980, s26;
	[dreg:$0xa] =	wrdreg s16;
	(v2sf) =	vpush v8, $0x4  }
0x95: {  	s12 =	sadd.s32 $0x4A80, s26;
	[dreg:$0xd] =	wrdreg s21;
	s21 =	spop (v2sf)  }
0x96: {  	[dreg:$0xb] =	wrdreg s2;
	s21 =	sand.u32 $0x1FFFFFF0, s21;
	s30 =	spop (v2sf)  }
0x97: {  	s21 =	sadd.s32 s4, s21;
	s2 =	sand.u32 $0x1FFFFFF0, s30;
	s30 =	spop (v2sf)  }
0x98: {  	(v2sf) =	vpush v7, $0x4;
	[tilespmem:s9], [sflag:$0x1] =	stream.linear.gather [hbm4b:s21+s31], $0x80, $0x38;
	[tilespmem:$0x8680] =	vst v63  }
0x99: {  	[dreg:$0x9] =	wrdreg s20;
	s21 =	sand.u32 $0x1FFFFFF0, s30;
	s30 =	spop (v2sf)  }
0x9a: {  	(v2sf) =	vpush v8, $0x5;
	s2 =	sadd.s32 s5, s2;
	s9 =	sadd.s32 s4, s21;
	s21 =	sand.u32 $0x1FFFFFF0, s30  }
0x9b: {  	(v2sf) =	vpush v7, $0x5;
	[tilespmem:s7], [sflag:$0x5] =	stream.linear.gather [hbm4b:s2+s31], $0x80, $0x38;
	[tilespmem:$0x8680] =	vst v63  }
0x9c: {  	s16 =	sadd.s32 $0x780, s26;
	s30 =	spop (v2sf);
	s7 =	sadd.s32 s5, s21  }
0x9d: {  	(v2sf) =	vpush v8, $0x6;
	[tilespmem:s10], [sflag:$0x2] =	stream.linear.gather [hbm4b:s9+s31], $0x80, $0x38;
	[tilespmem:$0x8680] =	vst v63  }
0x9e: {  	s21 =	sand.u32 $0x1FFFFFF0, s30;
	s30 =	spop (v2sf);
	s10 =	simm.s32 $0x0  }
0x9f: {  	(v2sf) =	vpush v7, $0x6;
	[tilespmem:s8], [sflag:$0x6] =	stream.linear.gather [hbm4b:s7+s10], $0x80, $0x38;
	[tilespmem:$0x8680] =	vst v63  }
0xa0: {  	s8 =	sadd.s32 s4, s21;
	s21 =	sand.u32 $0x1FFFFFF0, s30;
	s30 =	spop (v2sf)  }
0xa1: {  	(v2sf) =	vpush v8, $0x7;
	s9 =	sadd.s32 s5, s21;
	s21 =	sand.u32 $0x1FFFFFF0, s30;
	s30 =	spop (v2sf)  }
0xa2: {  	[tilespmem:s6], [sflag:$0x3] =	stream.linear.gather [hbm4b:s8+s10], $0x80, $0x38;
	[tilespmem:$0x8680] =	vst v63  }
0xa3: {  	s20 =	sadd.s32 $0xA00, s26;
	s15 =	sadd.s32 $0x4780, s26;
	(v2sf) =	vpush v7, $0x7;
	s8 =	spop (v2sf)  }
0xa4: {  	(v2sf) =	vpush v8, $0x8;
	[tilespmem:s29], [sflag:$0x7] =	stream.linear.gather [hbm4b:s9+s10], $0x80, $0x38;
	[tilespmem:$0x8680] =	vst v63  }
0xa5: {  	s13 =	sadd.s32 $0x800, s26;
	s6 =	sadd.s32 s4, s21;
	s7 =	sand.u32 $0x1FFFFFF0, s30  }
0xa6: {  	[tilespmem:s23], [sflag:$0x4] =	stream.linear.gather [hbm4b:s6+s10], $0x80, $0x38;
	[tilespmem:$0x8680] =	vst v63  }
0xa7: {  	s11 =	sadd.s32 $0xB00, s26;
	s9 =	sadd.s32 s5, s7;
	s23 =	spop (v2sf)  }
0xa8: {  	[tilespmem:s24], [sflag:$0x8] =	stream.linear.gather [hbm4b:s9+s10], $0x80, $0x38;
	[tilespmem:$0x8680] =	vst v63  }
0xa9: {  	s0 =	sadd.s32 $0x4B00, s26;
	s21 =	sand.u32 $0x1FFFFFF0, s8;
	s30 =	spop (v2sf)  }
0xaa: {  	(v2sf) =	vpush v7, $0x8;
	s24 =	sadd.s32 s4, s21;
	s29 =	sand.u32 $0x1FFFFFF0, s23;
	s21 =	spop (v2sf)  }
0xab: {  	(v2sf) =	vpush v8, $0x9;
	[tilespmem:s25], [sflag:$0x1] =	stream.linear.gather [hbm4b:s24+s10], $0x80, $0x38;
	[tilespmem:$0x8680] =	vst v63  }
0xac: {  	s8 =	sadd.s32 s5, s29;
	s9 =	sand.u32 $0x1FFFFFF0, s30;
	s24 =	spop (v2sf)  }
0xad: {  	(v2sf) =	vpush v7, $0x9;
	[tilespmem:s22], [sflag:$0x5] =	stream.linear.gather [hbm4b:s8+s10], $0x80, $0x38;
	[tilespmem:$0x8680] =	vst v63  }
0xae: {  	s23 =	sand.u32 $0x1FFFFFF0, s21;
	s30 =	spop (v2sf);
	s22 =	sadd.s32 s4, s9  }
0xaf: {  	[tilespmem:s14], [sflag:$0x2] =	stream.linear.gather [hbm4b:s22+s10], $0x80, $0x38;
	[tilespmem:$0x8680] =	vst v63  }
0xb0: {  	s25 =	sadd.s32 s5, s23;
	s29 =	sand.u32 $0x1FFFFFF0, s24;
	s14 =	spop (v2sf)  }
0xb1: {  	(v2sf) =	vpush v8, $0xA;
	[tilespmem:s19], [sflag:$0x6] =	stream.linear.gather [hbm4b:s25+s10], $0x80, $0x38;
	[tilespmem:$0x8680] =	vst v63  }
0xb2: {  	s8 =	sadd.s32 s4, s29;
	s9 =	sand.u32 $0x1FFFFFF0, s30;
	s21 =	spop (v2sf)  }
0xb3: {  	(v2sf) =	vpush v7, $0xA;
	s19 =	sand.u32 $0x1FFFFFF0, s14;
	s23 =	sand.u32 $0x1FFFFFF0, s21;
	s24 =	spop (v2sf)  }
0xb4: {  	[tilespmem:s18], [sflag:$0x3] =	stream.linear.gather [hbm4b:s8+s10], $0x80, $0x38;
	[tilespmem:$0x8680] =	vst v63  }
0xb5: {  	(v2sf) =	vpush v8, $0xB;
	s18 =	sadd.s32 s5, s9;
	s25 =	sadd.s32 s5, s23;
	s23 =	rddreg [dreg:$0x8]  }
0xb6: {  	[tilespmem:s17], [sflag:$0x7] =	stream.linear.gather [hbm4b:s18+s10], $0x80, $0x38;
	[tilespmem:$0x8680] =	vst v63  }
0xb7: {  	s22 =	sadd.s32 s4, s19;
	s29 =	sand.u32 $0x1FFFFFF0, s24;
	s18 =	rddreg [dreg:$0xd]  }
0xb8: {  	[tilespmem:s16], [sflag:$0x4] =	stream.linear.gather [hbm4b:s22+s10], $0x80, $0x38;
	[tilespmem:$0x8680] =	vst v63  }
0xb9: {  	(v2sf) =	vpush v7, $0xB;
	s6 =	sadd.s32 s4, s29;
	s16 =	rddreg [dreg:$0xe];
	s30 =	spop (v2sf)  }
0xba: {  	(v2sf) =	vpush v8, $0xC;
	s8 =	sand.u32 $0x1FFFFFF0, s30;
	s9 =	spop (v2sf);
	s30 =	rddreg [dreg:$0xa]  }
0xbb: {  	[tilespmem:s15], [sflag:$0x8] =	stream.linear.gather [hbm4b:s25+s10], $0x80, $0x38;
	[tilespmem:$0x8680] =	vst v63  }
0xbc: {  	(v2sf) =	vpush v7, $0xC;
	s15 =	rddreg [dreg:$0xc];
	s14 =	sand.u32 $0x1FFFFFF0, s9;
	s17 =	spop (v2sf)  }
0xbd: {  	[tilespmem:s13], [sflag:$0x1] =	stream.linear.gather [hbm4b:s6+s10], $0x80, $0x38;
	[tilespmem:$0x8680] =	vst v63  }
0xbe: {  	s19 =	sadd.s32 s4, s14;
	s21 =	sand.u32 $0x1FFFFFF0, s17;
	s13 =	sadd.s32 s5, s8  }
0xbf: {  	[tilespmem:s18], [sflag:$0x5] =	stream.linear.gather [hbm4b:s13+s10], $0x80, $0x38;
	[tilespmem:$0x8680] =	vst v63  }
0xc0: {  	s22 =	spop (v2sf);
	s14 =	rddreg [dreg:$0x9];
	s24 =	sadd.s32 s5, s21  }
0xc1: {  	[tilespmem:s23], [sflag:$0x2] =	stream.linear.gather [hbm4b:s19+s10], $0x80, $0x38;
	[tilespmem:$0x8680] =	vst v63  }
0xc2: {  	s25 =	sand.u32 $0x1FFFFFF0, s22;
	s29 =	spop (v2sf);
	s21 =	rddreg [dreg:$0x6]  }
0xc3: {  	[tilespmem:s30], [sflag:$0x6] =	stream.linear.gather [hbm4b:s24+s10], $0x80, $0x38;
	[tilespmem:$0x8680] =	vst v63  }
0xc4: {  	s8 =	sadd.s32 s4, s25;
	s9 =	sand.u32 $0x1FFFFFF0, s29;
	s13 =	spop (v2sf)  }
0xc5: {  	[tilespmem:s14], [sflag:$0x3] =	stream.linear.gather [hbm4b:s8+s10], $0x80, $0x38;
	[tilespmem:$0x8680] =	vst v63  }
0xc6: {  	s25 =	rddreg [dreg:$0xb];
	s17 =	sadd.s32 s5, s9;
	s18 =	sand.u32 $0x1FFFFFF0, s13  }
0xc7: {  	(v2sf) =	vpush v8, $0xD;
	[tilespmem:s21], [sflag:$0x7] =	stream.linear.gather [hbm4b:s17+s10], $0x80, $0x38;
	[tilespmem:$0x8680] =	vst v63  }
.Ltmp0:
0xc8: {  	(v2sf) =	vpush v7, $0xD;
	s19 =	spop (v2sf);
	s22 =	sadd.s32 s4, s18;
	(pc) =	sbr.rel @p0 .LBB2_3-.Ltmp0, $4  }
0xc9: {  	(v2sf) =	vpush v8, $0xE;
	s23 =	sand.u32 $0x1FFFFFF0, s19;
	s24 =	spop (v2sf);
	s30 =	rddreg [dreg:$0x7]  }
0xca: {  	(v2sf) =	vpush v7, $0xE;
	[tilespmem:s25], [sflag:$0x4] =	stream.linear.gather [hbm4b:s22+s10], $0x80, $0x38;
	[tilespmem:$0x8680] =	vst v63  }
0xcb: {  	(v2sf) =	vpush v8, $0xF;
	s29 =	sadd.s32 s5, s23;
	s6 =	sand.u32 $0x1FFFFFF0, s24;
	s7 =	spop (v2sf)  }
0xcc: {  	(v2sf) =	vpush v7, $0xF;
	[tilespmem:s30], [sflag:$0x8] =	stream.linear.gather [hbm4b:s29+s10], $0x80, $0x38;
	[tilespmem:$0x8680] =	vst v63  }
0xcd: {  	_ =	sdelay $0x4  }
0xce: {  	s1 =	sadd.s32 s4, s6;
	s2 =	sand.u32 $0x1FFFFFF0, s7  }
0xcf: {  	[tilespmem:s20], [sflag:$0x1] =	stream.linear.gather [hbm4b:s1+s10], $0x80, $0x38;
	[tilespmem:$0x8680] =	vst v63  }
0xd0: {  	s21 =	sadd.s32 s5, s2  }
0xd1: {  	[tilespmem:s15], [sflag:$0x5] =	stream.linear.gather [hbm4b:s21+s10], $0x80, $0x38;
	[tilespmem:$0x8680] =	vst v63  }
0xd2: {  	s3 =	spop (v2sf)  }
0xd3: {  	s22 =	sand.u32 $0x1FFFFFF0, s3;
	s23 =	spop (v2sf)  }
0xd4: {  	s24 =	sadd.s32 s4, s22;
	s25 =	sand.u32 $0x1FFFFFF0, s23;
	s30 =	spop (v2sf)  }
0xd5: {  	[tilespmem:s16], [sflag:$0x2] =	stream.linear.gather [hbm4b:s24+s10], $0x80, $0x38;
	[tilespmem:$0x8680] =	vst v63  }
0xd6: {  	s2 =	sadd.s32 s5, s25;
	s3 =	sand.u32 $0x1FFFFFF0, s30;
	s6 =	spop (v2sf)  }
0xd7: {  	[tilespmem:s12], [sflag:$0x6] =	stream.linear.gather [hbm4b:s2+s10], $0x80, $0x38;
	[tilespmem:$0x8680] =	vst v63  }
0xd8: {  	s7 =	sadd.s32 s4, s3;
	s8 =	sand.u32 $0x1FFFFFF0, s6;
	s9 =	spop (v2sf)  }
0xd9: {  	[tilespmem:s11], [sflag:$0x3] =	stream.linear.gather [hbm4b:s7+s10], $0x80, $0x38;
	[tilespmem:$0x8680] =	vst v63  }
0xda: {  	s12 =	sand.u32 $0x1FFFFFF0, s9;
	s13 =	spop (v2sf);
	s11 =	sadd.s32 s5, s8  }
0xdb: {  	[tilespmem:s0], [sflag:$0x7] =	stream.linear.gather [hbm4b:s11+s10], $0x80, $0x38;
	[tilespmem:$0x8680] =	vst v63  }
0xdc: {  	s14 =	sadd.s32 $0xB80, s26;
	s15 =	sadd.s32 s4, s12;
	s16 =	sand.u32 $0x1FFFFFF0, s13  }
0xdd: {  	[tilespmem:s14], [sflag:$0x4] =	stream.linear.gather [hbm4b:s15+s10], $0x80, $0x38;
	[tilespmem:$0x8680] =	vst v63  }
0xde: {  	s17 =	sadd.s32 $0x4B80, s26;
	s19 =	simm.s32 $0x1;
	s18 =	sadd.s32 s5, s16  }
0xdf: {  	[tilespmem:s17], [sflag:$0x8] =	stream.linear.gather [hbm4b:s18+s10], $0x80, $0x38;
	[tilespmem:$0x8680] =	vst v63  }
0xe0: {  	_ =	swait.ge [sflag:s19], $0x1000  }
0xe1: {  	[sflag:s19] =	ssyncset.done $0x0  }
0xe2: {  	s20 =	simm.s32 $0x5;
	[sflag:s19] =	ssyncadd.s32 $0xFFFFF000  }
0xe3: {  	_ =	swait.ge [sflag:s20], $0x1000  }
0xe4: {  	[sflag:s20] =	ssyncset.done $0x0  }
0xe5: {  	s21 =	simm.s32 $0x2;
	[sflag:s20] =	ssyncadd.s32 $0xFFFFF000  }
0xe6: {  	_ =	swait.ge [sflag:s21], $0x1000  }
0xe7: {  	[sflag:s21] =	ssyncset.done $0x0  }
0xe8: {  	s22 =	simm.s32 $0x6;
	[sflag:s21] =	ssyncadd.s32 $0xFFFFF000  }
0xe9: {  	_ =	swait.ge [sflag:s22], $0x1000  }
0xea: {  	[sflag:s22] =	ssyncset.done $0x0  }
0xeb: {  	s23 =	simm.s32 $0x3;
	[sflag:s22] =	ssyncadd.s32 $0xFFFFF000  }
0xec: {  	_ =	swait.ge [sflag:s23], $0x1000  }
0xed: {  	[sflag:s23] =	ssyncset.done $0x0  }
0xee: {  	s24 =	simm.s32 $0x7;
	[sflag:s23] =	ssyncadd.s32 $0xFFFFF000  }
0xef: {  	_ =	swait.ge [sflag:s24], $0x1000  }
0xf0: {  	[sflag:s24] =	ssyncset.done $0x0  }
0xf1: {  	s25 =	simm.s32 $0x4;
	[sflag:s24] =	ssyncadd.s32 $0xFFFFF000  }
0xf2: {  	_ =	swait.ge [sflag:s25], $0x1000  }
0xf3: {  	[sflag:s25] =	ssyncset.done $0x0  }
0xf4: {  	s26 =	simm.s32 $0x8;
	[sflag:s25] =	ssyncadd.s32 $0xFFFFF000  }
0xf5: {  	_ =	swait.ge [sflag:s26], $0x1000  }
0xf6: {  	[sflag:s26] =	ssyncset.done $0x0  }
0xf7: {  	s30 =	simm.s32 $0x0;
	[sflag:s26] =	ssyncadd.s32 $0xFFFFF000  }
0xf8: {  	v7 =	vld [tilespmem:s30+$0x4400]  }
0xf9: {  	v8 =	vld [tilespmem:s30+$0x400]  }
0xfa: {  	v9 =	vld [tilespmem:s30+$0x410]  }
0xfb: {  	v10 =	vld [tilespmem:s30+$0x4410]  }
0xfc: {  	v11 =	vld [tilespmem:s30+$0x480]  }
0xfd: {  	v12 =	vld [tilespmem:s30+$0x4480]  }
0xfe: {  	v13 =	vld [tilespmem:s30+$0x490]  }
0xff: {  	v14 =	vld [tilespmem:s30+$0x4490]  }
0x100: {  	v15 =	vld [tilespmem:s30+$0x500]  }
0x101: {  	v16 =	vld [tilespmem:s30+$0x4500]  }
0x102: {  	v17 =	vld [tilespmem:s30+$0x510]  }
0x103: {  	v18 =	vld [tilespmem:s30+$0x4510]  }
0x104: {  	v19 =	vld [tilespmem:s30+$0x580]  }
0x105: {  	v20 =	vld [tilespmem:s30+$0x4580]  }
0x106: {  	v21 =	vld [tilespmem:s30+$0x590]  }
0x107: {  	v22 =	vld [tilespmem:s30+$0x4590]  }
0x108: {  	v23 =	vld [tilespmem:s30+$0x600]  }
0x109: {  	v24 =	vld [tilespmem:s30+$0x4600]  }
0x10a: {  	v25 =	vld [tilespmem:s30+$0x610]  }
0x10b: {  	v26 =	vld [tilespmem:s30+$0x4610]  }
0x10c: {  	v27 =	vld [tilespmem:s30+$0x680]  }
0x10d: {  	v28 =	vld [tilespmem:s30+$0x4680]  }
0x10e: {  	v29 =	vld [tilespmem:s30+$0x690]  }
0x10f: {  	v30 =	vld [tilespmem:s30+$0x4690]  }
0x110: {  	v31 =	vld [tilespmem:s30+$0x700]  }
0x111: {  	v32 =	vld [tilespmem:s30+$0x4700]  }
0x112: {  	v33 =	vld [tilespmem:s30+$0x710]  }
0x113: {  	v35 =	vld [tilespmem:s30+$0x890]  }
0x114: {  	v63 =	vld [tilespmem:s30+$0x990]  }
0x115: {  	v44 =	vld [tilespmem:s30+$0x4990]  }
0x116: {  	v45 =	vld [tilespmem:s30+$0xA10]  }
0x117: {  	v46 =	vld [tilespmem:s30+$0xA90];
	v7 =	vmul.f32 v7, v8  }
0x118: {  	v48 =	vld [tilespmem:s30+$0xB10];
	v8 =	vmul.f32 v10, v9;
	v10 =	vmul.f32 v12, v11  }
0x119: {  	v49 =	vld [tilespmem:s30+$0x4B80];
	v11 =	vmul.f32 v14, v13;
	v15 =	vmul.f32 v16, v15  }
0x11a: {  	v9 =	vld [tilespmem:s30+$0x4710];
	v16 =	vmul.f32 v18, v17;
	v18 =	vmul.f32 v20, v19  }
0x11b: {  	v12 =	vld [tilespmem:s30+$0x780];
	v19 =	vmul.f32 v22, v21;
	v23 =	vmul.f32 v24, v23  }
0x11c: {  	v13 =	vld [tilespmem:s30+$0x4780];
	v24 =	vmul.f32 v26, v25;
	v26 =	vmul.f32 v30, v29  }
0x11d: {  	v14 =	vld [tilespmem:s30+$0x790];
	v31 =	vmul.f32 v32, v31;
	v7 =	vmul.f32 v7, v4  }
0x11e: {  	v17 =	vld [tilespmem:s30+$0x4790];
	v8 =	vmul.f32 v8, v5;
	v10 =	vmul.f32 v10, v4  }
0x11f: {  	v20 =	vld [tilespmem:s30+$0x800];
	v11 =	vmul.f32 v11, v5;
	v15 =	vmul.f32 v15, v4  }
0x120: {  	v21 =	vld [tilespmem:s30+$0x4800];
	v16 =	vmul.f32 v16, v5;
	v18 =	vmul.f32 v18, v4  }
0x121: {  	v22 =	vld [tilespmem:s30+$0x810];
	v19 =	vmul.f32 v19, v5;
	v23 =	vmul.f32 v23, v4  }
0x122: {  	v25 =	vld [tilespmem:s30+$0x4890];
	v24 =	vmul.f32 v24, v5;
	v26 =	vmul.f32 v26, v5;
	v7 =	vadd.f32 v8, v7  }
0x123: {  	v8 =	vadd.f32 v11, v10;
	v10 =	vld [tilespmem:s30+$0x4810];
	v9 =	vmul.f32 v9, v33;
	v12 =	vmul.f32 v13, v12  }
0x124: {  	v11 =	vadd.f32 v16, v15;
	v16 =	vld [tilespmem:s30+$0x880];
	v13 =	vmul.f32 v17, v14;
	v17 =	vmul.f32 v31, v4  }
0x125: {  	v15 =	vadd.f32 v19, v18;
	v18 =	vld [tilespmem:s30+$0x4880];
	v20 =	vmul.f32 v21, v20;
	v19 =	vperm.xlane v7, v0  }
0x126: {  	v14 =	vld [tilespmem:s30+$0xA00];
	v34 =	vperm.xlane v8, v0;
	v36 =	vperm.xlane v11, v0  }
0x127: {  	v31 =	vld [tilespmem:s30+$0x4A00];
	v37 =	vperm.xlane v15, v0;
	v9 =	vmul.f32 v9, v5  }
0x128: {  	v21 =	vld [tilespmem:s30+$0x4A10];
	v12 =	vmul.f32 v12, v4;
	v13 =	vmul.f32 v13, v5  }
0x129: {  	v29 =	vld [tilespmem:s30+$0x910];
	v20 =	vmul.f32 v20, v4;
	v7 =	vadd.f32 v19, v7;
	v19 =	vmul.f32 v28, v27  }
0x12a: {  	v30 =	vld [tilespmem:s30+$0x4910];
	v8 =	vadd.f32 v34, v8;
	v11 =	vadd.f32 v36, v11;
	v10 =	vmul.f32 v10, v22  }
0x12b: {  	v27 =	vld [tilespmem:s30+$0x900];
	v15 =	vadd.f32 v37, v15;
	v16 =	vmul.f32 v18, v16;
	v18 =	vmul.f32 v25, v35  }
0x12c: {  	v28 =	vld [tilespmem:s30+$0x4900];
	v9 =	vadd.f32 v9, v17;
	v12 =	vadd.f32 v13, v12;
	v19 =	vmul.f32 v19, v4  }
0x12d: {  	v22 =	vld [tilespmem:s30+$0xA80];
	v7 =	vsel vm0, v7, v8;
	v14 =	vmul.f32 v31, v14;
	v21 =	vmul.f32 v21, v45  }
0x12e: {  	v25 =	vld [tilespmem:s30+$0x4A80];
	v8 =	vadd.f32 v24, v23;
	v24 =	vperm.xlane v7, v1;
	v10 =	vmul.f32 v10, v5  }
0x12f: {  	v13 =	vld [tilespmem:s30+$0x4A90];
	v11 =	vsel vm0, v11, v15;
	v16 =	vmul.f32 v16, v4;
	v18 =	vmul.f32 v18, v5  }
0x130: {  	v23 =	vld [tilespmem:s30+$0x980];
	v47 =	vperm.xlane v12, v0;
	v19 =	vadd.f32 v26, v19;
	v26 =	vperm.xlane v11, v1  }
0x131: {  	v15 =	vld [tilespmem:s30+$0x4980];
	v42 =	vperm.xlane v8, v0;
	v14 =	vmul.f32 v14, v4;
	v10 =	vadd.f32 v10, v20  }
0x132: {  	v50 =	vld [tilespmem:s30+$0xB90];
	v16 =	vadd.f32 v18, v16;
	v20 =	vperm.xlane v9, v0;
	v27 =	vmul.f32 v28, v27  }
0x133: {  	v17 =	vld [tilespmem:s30+$0xB00];
	v28 =	vmul.f32 v30, v29;
	v7 =	vadd.f32 v24, v7;
	v43 =	vperm.xlane v19, v0  }
0x134: {  	v29 =	vld [tilespmem:s30+$0x4B10];
	v8 =	vadd.f32 v42, v8;
	v22 =	vmul.f32 v25, v22;
	v13 =	vmul.f32 v13, v46  }
0x135: {  	v24 =	vld [tilespmem:s30+$0x4B90];
	v38 =	vperm.xlane v10, v0;
	v39 =	vperm.xlane v16, v0;
	v19 =	vadd.f32 v43, v19  }
0x136: {  	v30 =	vld [tilespmem:s30+$0xB80];
	v12 =	vadd.f32 v47, v12;
	v15 =	vmul.f32 v15, v23;
	v23 =	vmul.f32 v44, v63  }
0x137: {  	v27 =	vmul.f32 v27, v4;
	v28 =	vmul.f32 v28, v5;
	v8 =	vsel vm0, v8, v19;
	v19 =	vld [tilespmem:s30+$0x4B00]  }
0x138: {  	v9 =	vadd.f32 v20, v9;
	v20 =	vmul.f32 v22, v4;
	v13 =	vmul.f32 v13, v5  }
0x139: {  	v11 =	vadd.f32 v26, v11;
	v15 =	vmul.f32 v15, v4;
	v18 =	vperm.xlane v8, v1  }
0x13a: {  	v23 =	vmul.f32 v23, v5;
	v10 =	vadd.f32 v38, v10;
	v22 =	vmul.f32 v24, v50  }
0x13b: {  	v8 =	vadd.f32 v18, v8;
	v18 =	vmul.f32 v21, v5;
	v21 =	vmul.f32 v49, v30  }
0x13c: {  	v16 =	vadd.f32 v39, v16;
	v17 =	vmul.f32 v19, v17;
	v19 =	vmul.f32 v29, v48  }
0x13d: {  	v15 =	vadd.f32 v23, v15;
	v22 =	vmul.f32 v22, v5;
	v21 =	vmul.f32 v21, v4  }
0x13e: {  	v24 =	vadd.f32 v28, v27;
	v17 =	vmul.f32 v17, v4;
	v19 =	vmul.f32 v19, v5  }
0x13f: {  	v13 =	vadd.f32 v13, v20;
	v20 =	vperm.xlane v15, v0;
	v14 =	vadd.f32 v18, v14  }
0x140: {  	v18 =	vperm.xlane v24, v0;
	v17 =	vadd.f32 v19, v17;
	v19 =	vadd.f32 v22, v21  }
0x141: {  	v15 =	vadd.f32 v20, v15;
	v21 =	vperm.xlane v14, v0;
	v22 =	vperm.xlane v13, v0  }
0x142: {  	v18 =	vadd.f32 v18, v24;
	v20 =	vperm.xlane v17, v0;
	v23 =	vperm.xlane v19, v0  }
0x143: {  	v9 =	vsel vm0, v9, v12;
	v12 =	vadd.f32 v21, v14;
	v13 =	vadd.f32 v22, v13  }
0x144: {  	v10 =	vsel vm0, v10, v16;
	v14 =	vadd.f32 v20, v17;
	v16 =	vadd.f32 v23, v19  }
0x145: {  	v15 =	vsel vm0, v18, v15;
	v18 =	vperm.xlane v10, v1;
	v17 =	vperm.xlane v9, v1  }
0x146: {  	v12 =	vsel vm0, v12, v13;
	v13 =	vsel vm0, v14, v16;
	v14 =	vperm.xlane v15, v1  }
0x147: {  	v9 =	vadd.f32 v17, v9;
	v16 =	vperm.xlane v12, v1;
	v17 =	vperm.xlane v13, v1  }
0x148: {  	v10 =	vadd.f32 v18, v10;
	v14 =	vadd.f32 v14, v15  }
0x149: {  	v7 =	vsel vm1, v7, v11;
	v11 =	vadd.f32 v16, v12;
	v12 =	vadd.f32 v17, v13  }
0x14a: {  	v8 =	vsel vm1, v8, v9;
	v9 =	vperm.xlane v7, v2  }
0x14b: {  	v10 =	vsel vm1, v10, v14;
	v11 =	vsel vm1, v11, v12;
	v12 =	vperm.xlane v8, v2  }
0x14c: {  	v13 =	vperm.xlane v10, v2;
	v14 =	vperm.xlane v11, v2  }
0x14d: {  	v7 =	vadd.f32 v9, v7;
	v8 =	vadd.f32 v12, v8  }
0x14e: {  	v9 =	vadd.f32 v13, v10;
	v10 =	vadd.f32 v14, v11;
	_ =	sdelay $0x1  }
0x14f: {  	v7 =	vsel vm2, v7, v8;
	v8 =	vsel vm2, v9, v10  }
0x150: {  	v9 =	vperm.xlane v7, v3;
	v10 =	vperm.xlane v8, v3;
	_ =	sdelay $0x1  }
0x151: {  	v7 =	vadd.f32 v9, v7;
	v8 =	vadd.f32 v10, v8;
	_ =	sdelay $0x1  }
0x152: {  	v7 =	vsel vm3, v7, v8  }
0x153: {  	v7 =	vadd.f32 v7, v6;
	_ =	sdelay $0x1  }
0x154: {  	v7 =	vsub.f32 $0.0e+00, v7;
	_ =	sdelay $0x1  }
0x155: {  	v7 =	vmul.f32 $1.442695020e+00, v7;
	_ =	sdelay $0x1  }
0x156: {  	(erf) = vpow2.f32 v7;
	_ =	sdelay $0x8  }
0x157: {  	v7 =	vpop (erf)  }
0x158: {  	v7 =	vadd.f32 $1.000000000e+00, v7;
	_ =	sdelay $0x1  }
0x159: {  	(erf) = vrcp.f32 v7;
	_ =	sdelay $0x8  }
0x15a: {  	s1 =	rddreg [dreg:$0x15];
	v7 =	vpop (erf)  }
0x15b: {  	s28 =	simm.s32 $0x800;
	[tilespmem:s1+$0x0] =	vst v7  }
0x15c: {  	v7 =	vld [tilespmem:s28+$0x4400]  }
0x15d: {  	v8 =	vld [tilespmem:s28+$0x400]  }
0x15e: {  	v9 =	vld [tilespmem:s28+$0x410]  }
0x15f: {  	v10 =	vld [tilespmem:s28+$0x4410]  }
0x160: {  	v11 =	vld [tilespmem:s28+$0x480]  }
0x161: {  	v12 =	vld [tilespmem:s28+$0x4480]  }
0x162: {  	v13 =	vld [tilespmem:s28+$0x490]  }
0x163: {  	v14 =	vld [tilespmem:s28+$0x4490]  }
0x164: {  	v15 =	vld [tilespmem:s28+$0x500]  }
0x165: {  	v16 =	vld [tilespmem:s28+$0x4500]  }
0x166: {  	v17 =	vld [tilespmem:s28+$0x510]  }
0x167: {  	v18 =	vld [tilespmem:s28+$0x4510]  }
0x168: {  	v19 =	vld [tilespmem:s28+$0x580]  }
0x169: {  	v20 =	vld [tilespmem:s28+$0x4580]  }
0x16a: {  	v21 =	vld [tilespmem:s28+$0x590]  }
0x16b: {  	v22 =	vld [tilespmem:s28+$0x4590]  }
0x16c: {  	v23 =	vld [tilespmem:s28+$0x600]  }
0x16d: {  	v24 =	vld [tilespmem:s28+$0x4600]  }
0x16e: {  	v25 =	vld [tilespmem:s28+$0x610]  }
0x16f: {  	v26 =	vld [tilespmem:s28+$0x4610]  }
0x170: {  	v27 =	vld [tilespmem:s28+$0x680]  }
0x171: {  	v28 =	vld [tilespmem:s28+$0x4680]  }
0x172: {  	v29 =	vld [tilespmem:s28+$0x690]  }
0x173: {  	v30 =	vld [tilespmem:s28+$0x4690]  }
0x174: {  	v31 =	vld [tilespmem:s28+$0x700]  }
0x175: {  	v51 =	vld [tilespmem:s28+$0x4700]  }
0x176: {  	v52 =	vld [tilespmem:s28+$0x710]  }
0x177: {  	v53 =	vld [tilespmem:s28+$0x4810]  }
0x178: {  	v54 =	vld [tilespmem:s28+$0x890]  }
0x179: {  	v59 =	vld [tilespmem:s28+$0x910]  }
0x17a: {  	v60 =	vld [tilespmem:s28+$0x4910]  }
0x17b: {  	v41 =	vld [tilespmem:s28+$0x980];
	v7 =	vmul.f32 v7, v8  }
0x17c: {  	v42 =	vld [tilespmem:s28+$0x4980];
	v8 =	vmul.f32 v10, v9;
	v10 =	vmul.f32 v12, v11  }
0x17d: {  	v9 =	vld [tilespmem:s28+$0x4710];
	v11 =	vmul.f32 v14, v13;
	v15 =	vmul.f32 v16, v15  }
0x17e: {  	v12 =	vld [tilespmem:s28+$0x780];
	v16 =	vmul.f32 v18, v17;
	v18 =	vmul.f32 v20, v19  }
0x17f: {  	v13 =	vld [tilespmem:s28+$0x4780];
	v19 =	vmul.f32 v22, v21;
	v23 =	vmul.f32 v24, v23  }
0x180: {  	v14 =	vld [tilespmem:s28+$0x790];
	v24 =	vmul.f32 v26, v25;
	v26 =	vmul.f32 v30, v29  }
0x181: {  	v17 =	vld [tilespmem:s28+$0x4790];
	v61 =	vmul.f32 v60, v59;
	v62 =	vmul.f32 v42, v41  }
0x182: {  	v20 =	vld [tilespmem:s28+$0x800];
	v7 =	vmul.f32 v7, v4;
	v8 =	vmul.f32 v8, v5  }
0x183: {  	v21 =	vld [tilespmem:s28+$0x4800];
	v10 =	vmul.f32 v10, v4;
	v11 =	vmul.f32 v11, v5  }
0x184: {  	v22 =	vld [tilespmem:s28+$0x810];
	v15 =	vmul.f32 v15, v4;
	v16 =	vmul.f32 v16, v5  }
0x185: {  	v57 =	vld [tilespmem:s28+$0x900];
	v18 =	vmul.f32 v18, v4;
	v19 =	vmul.f32 v19, v5  }
0x186: {  	v58 =	vld [tilespmem:s28+$0x4900];
	v34 =	vmul.f32 v61, v5;
	v32 =	vmul.f32 v62, v4;
	v7 =	vadd.f32 v8, v7  }
0x187: {  	v44 =	vld [tilespmem:s28+$0x990];
	v8 =	vadd.f32 v11, v10;
	v9 =	vmul.f32 v9, v52;
	v12 =	vmul.f32 v13, v12  }
0x188: {  	v33 =	vld [tilespmem:s28+$0x4B10];
	v10 =	vadd.f32 v16, v15;
	v13 =	vmul.f32 v17, v14;
	v20 =	vmul.f32 v21, v20  }
0x189: {  	v25 =	vld [tilespmem:s28+$0x4890];
	v11 =	vadd.f32 v19, v18;
	v21 =	vmul.f32 v53, v22;
	v18 =	vperm.xlane v7, v0  }
0x18a: {  	v15 =	vld [tilespmem:s28+$0x880];
	v19 =	vperm.xlane v8, v0;
	v55 =	vperm.xlane v10, v0  }
0x18b: {  	v16 =	vld [tilespmem:s28+$0x4880];
	v56 =	vperm.xlane v11, v0;
	v9 =	vmul.f32 v9, v5  }
0x18c: {  	v36 =	vld [tilespmem:s28+$0xB80];
	v20 =	vmul.f32 v20, v4;
	v7 =	vadd.f32 v18, v7;
	v18 =	vmul.f32 v28, v27  }
0x18d: {  	v37 =	vld [tilespmem:s28+$0x4B80];
	v8 =	vadd.f32 v19, v8;
	v19 =	vmul.f32 v23, v4;
	v23 =	vmul.f32 v24, v5  }
0x18e: {  	v38 =	vld [tilespmem:s28+$0xB90];
	v24 =	vmul.f32 v26, v5;
	v26 =	vmul.f32 v12, v4  }
0x18f: {  	v14 =	vld [tilespmem:s28+$0xA80];
	v10 =	vadd.f32 v55, v10;
	v27 =	vmul.f32 v13, v5;
	v28 =	vmul.f32 v21, v5  }
0x190: {  	v11 =	vadd.f32 v56, v11;
	v12 =	vld [tilespmem:s28+$0xA10];
	v15 =	vmul.f32 v16, v15;
	v16 =	vmul.f32 v25, v54  }
0x191: {  	v13 =	vld [tilespmem:s28+$0x4A10];
	v18 =	vmul.f32 v18, v4;
	v40 =	vsel vm0, v7, v8;
	v19 =	vadd.f32 v23, v19  }
0x192: {  	v7 =	vsel vm0, v10, v11;
	v11 =	vmul.f32 v51, v31;
	v31 =	vld [tilespmem:s28+$0x4990];
	v43 =	vperm.xlane v40, v1  }
0x193: {  	v21 =	vld [tilespmem:s28+$0xA90];
	v8 =	vperm.xlane v7, v1;
	v23 =	vadd.f32 v24, v18;
	v18 =	vperm.xlane v19, v0  }
0x194: {  	v10 =	vld [tilespmem:s28+$0xA00];
	v29 =	vmul.f32 v16, v5;
	v16 =	vadd.f32 v27, v26;
	v17 =	vmul.f32 v11, v4  }
0x195: {  	v15 =	vmul.f32 v15, v4;
	v11 =	vld [tilespmem:s28+$0x4A00];
	v24 =	vperm.xlane v23, v0;
	v22 =	vadd.f32 v18, v19  }
0x196: {  	v18 =	vld [tilespmem:s28+$0x4A80];
	v19 =	vadd.f32 v9, v17;
	v17 =	vadd.f32 v28, v20;
	v28 =	vperm.xlane v16, v0  }
0x197: {  	v9 =	vmul.f32 v58, v57;
	v63 =	vmul.f32 v31, v44;
	v23 =	vadd.f32 v24, v23;
	v24 =	vld [tilespmem:s28+$0x4A90]  }
0x198: {  	v26 =	vld [tilespmem:s28+$0xB10];
	v15 =	vadd.f32 v29, v15;
	v29 =	vperm.xlane v19, v0;
	v27 =	vperm.xlane v17, v0  }
0x199: {  	v20 =	vld [tilespmem:s28+$0xB00];
	v31 =	vmul.f32 v9, v4;
	v35 =	vmul.f32 v63, v5;
	v25 =	vsel vm0, v22, v23  }
0x19a: {  	s29 =	simm.s32 $0x4000;
	s26 =	smov.u32 s1;
	v9 =	vadd.f32 v43, v40;
	v22 =	vld [tilespmem:s28+$0x4B00];
	v23 =	vperm.xlane v15, v0;
	v30 =	vperm.xlane v25, v1  }
.LBB2_5:
0x19b: {  	p0 =	sne.s32 s29, $0xE000;
	v10 =	vmul.f32 v11, v10;
	v11 =	vmul.f32 v13, v12;
	v12 =	vld [tilespmem:s28+$0x4B90];
	v7 =	vadd.f32 v8, v7  }
0x19c: {  	v8 =	vmul.f32 v18, v14;
	v13 =	vmul.f32 v24, v21;
	v14 =	vadd.f32 v30, v25  }
0x19d: {  	v18 =	vadd.f32 v29, v19;
	v10 =	vmul.f32 v10, v4;
	v11 =	vmul.f32 v11, v5  }
0x19e: {  	v16 =	vadd.f32 v28, v16;
	v8 =	vmul.f32 v8, v4;
	v13 =	vmul.f32 v13, v5  }
0x19f: {  	v19 =	vmul.f32 v22, v20;
	v17 =	vadd.f32 v27, v17;
	v20 =	vmul.f32 v33, v26  }
0x1a0: {  	v15 =	vadd.f32 v23, v15;
	v21 =	vmul.f32 v37, v36;
	v12 =	vmul.f32 v12, v38  }
0x1a1: {  	v22 =	vadd.f32 v34, v31;
	v19 =	vmul.f32 v19, v4;
	v20 =	vmul.f32 v20, v5  }
0x1a2: {  	v23 =	vadd.f32 v35, v32;
	v21 =	vmul.f32 v21, v4;
	v12 =	vmul.f32 v12, v5  }
0x1a3: {  	v10 =	vadd.f32 v11, v10;
	v8 =	vadd.f32 v13, v8;
	v11 =	vperm.xlane v22, v0  }
0x1a4: {  	v13 =	vadd.f32 v20, v19;
	v19 =	vperm.xlane v23, v0;
	v12 =	vadd.f32 v12, v21  }
0x1a5: {  	v11 =	vadd.f32 v11, v22;
	v20 =	vperm.xlane v10, v0;
	v21 =	vperm.xlane v8, v0  }
0x1a6: {  	v19 =	vadd.f32 v19, v23;
	v22 =	vperm.xlane v13, v0;
	v23 =	vperm.xlane v12, v0  }
0x1a7: {  	v16 =	vsel vm0, v18, v16;
	v10 =	vadd.f32 v20, v10;
	v8 =	vadd.f32 v21, v8  }
0x1a8: {  	v15 =	vsel vm0, v17, v15;
	v13 =	vadd.f32 v22, v13;
	v12 =	vadd.f32 v23, v12  }
0x1a9: {  	v17 =	vperm.xlane v16, v1;
	v18 =	vperm.xlane v15, v1;
	v11 =	vsel vm0, v11, v19  }
0x1aa: {  	v8 =	vsel vm0, v10, v8;
	v10 =	vsel vm0, v13, v12;
	v12 =	vperm.xlane v11, v1  }
0x1ab: {  	v13 =	vadd.f32 v17, v16;
	v16 =	vperm.xlane v8, v1;
	v17 =	vperm.xlane v10, v1  }
0x1ac: {  	v15 =	vadd.f32 v18, v15;
	v11 =	vadd.f32 v12, v11  }
0x1ad: {  	v7 =	vsel vm1, v9, v7;
	v8 =	vadd.f32 v16, v8;
	v9 =	vadd.f32 v17, v10  }
0x1ae: {  	v12 =	vperm.xlane v7, v2;
	v10 =	vsel vm1, v14, v13  }
0x1af: {  	v11 =	vsel vm1, v15, v11;
	v8 =	vsel vm1, v8, v9;
	v9 =	vperm.xlane v10, v2  }
0x1b0: {  	v13 =	vperm.xlane v11, v2;
	v14 =	vperm.xlane v8, v2  }
0x1b1: {  	v7 =	vadd.f32 v12, v7;
	v9 =	vadd.f32 v9, v10  }
0x1b2: {  	v10 =	vadd.f32 v13, v11;
	v8 =	vadd.f32 v14, v8;
	_ =	sdelay $0x1  }
0x1b3: {  	v7 =	vsel vm2, v7, v9;
	v8 =	vsel vm2, v10, v8  }
0x1b4: {  	v9 =	vperm.xlane v7, v3;
	v10 =	vperm.xlane v8, v3;
	_ =	sdelay $0x1  }
0x1b5: {  	v7 =	vadd.f32 v9, v7;
	v8 =	vadd.f32 v10, v8;
	_ =	sdelay $0x1  }
0x1b6: {  	v7 =	vsel vm3, v7, v8  }
0x1b7: {  	v7 =	vadd.f32 v7, v6;
	_ =	sdelay $0x1  }
0x1b8: {  	v7 =	vsub.f32 $0.0e+00, v7;
	_ =	sdelay $0x1  }
0x1b9: {  	v7 =	vmul.f32 $1.442695020e+00, v7;
	_ =	sdelay $0x1  }
0x1ba: {  	(erf) = vpow2.f32 v7;
	_ =	sdelay $0x8  }
0x1bb: {  	v7 =	vpop (erf)  }
0x1bc: {  	v7 =	vadd.f32 $1.000000000e+00, v7;
	_ =	sdelay $0x1  }
0x1bd: {  	(erf) = vrcp.f32 v7;
	_ =	sdelay $0x8  }
0x1be: {  	s26 =	sadd.s32 $0x10, s26;
	v7 =	vpop (erf)  }
0x1bf: {  	s28 =	sshra.s32 s29, $0x2;
	[tilespmem:s26+$0x0] =	vst v7  }
0x1c0: {  	v7 =	vld [tilespmem:s28+$0x4400]  }
0x1c1: {  	v8 =	vld [tilespmem:s28+$0x400]  }
0x1c2: {  	v9 =	vld [tilespmem:s28+$0x410]  }
0x1c3: {  	v10 =	vld [tilespmem:s28+$0x4410]  }
0x1c4: {  	v11 =	vld [tilespmem:s28+$0x480]  }
0x1c5: {  	v12 =	vld [tilespmem:s28+$0x4480]  }
0x1c6: {  	v13 =	vld [tilespmem:s28+$0x490]  }
0x1c7: {  	v14 =	vld [tilespmem:s28+$0x4490]  }
0x1c8: {  	v15 =	vld [tilespmem:s28+$0x500]  }
0x1c9: {  	v16 =	vld [tilespmem:s28+$0x4500]  }
0x1ca: {  	v17 =	vld [tilespmem:s28+$0x510]  }
0x1cb: {  	v18 =	vld [tilespmem:s28+$0x4510]  }
0x1cc: {  	v19 =	vld [tilespmem:s28+$0x580]  }
0x1cd: {  	v20 =	vld [tilespmem:s28+$0x4580]  }
0x1ce: {  	v21 =	vld [tilespmem:s28+$0x590]  }
0x1cf: {  	v22 =	vld [tilespmem:s28+$0x4590]  }
0x1d0: {  	v23 =	vld [tilespmem:s28+$0x600]  }
0x1d1: {  	v24 =	vld [tilespmem:s28+$0x4600]  }
0x1d2: {  	v25 =	vld [tilespmem:s28+$0x610]  }
0x1d3: {  	v26 =	vld [tilespmem:s28+$0x4610]  }
0x1d4: {  	v27 =	vld [tilespmem:s28+$0x680]  }
0x1d5: {  	v28 =	vld [tilespmem:s28+$0x4680]  }
0x1d6: {  	v29 =	vld [tilespmem:s28+$0x690]  }
0x1d7: {  	v30 =	vld [tilespmem:s28+$0x4690]  }
0x1d8: {  	v31 =	vld [tilespmem:s28+$0x700]  }
0x1d9: {  	v32 =	vld [tilespmem:s28+$0x4700]  }
0x1da: {  	v33 =	vld [tilespmem:s28+$0x710]  }
0x1db: {  	v7 =	vmul.f32 v7, v8;
	v8 =	vmul.f32 v10, v9;
	v9 =	vld [tilespmem:s28+$0x4710]  }
0x1dc: {  	v10 =	vmul.f32 v12, v11;
	v11 =	vmul.f32 v14, v13;
	v12 =	vld [tilespmem:s28+$0x780]  }
0x1dd: {  	v7 =	vmul.f32 v7, v4;
	v8 =	vmul.f32 v8, v5;
	v13 =	vld [tilespmem:s28+$0x4780]  }
0x1de: {  	v10 =	vmul.f32 v10, v4;
	v11 =	vmul.f32 v11, v5;
	v14 =	vld [tilespmem:s28+$0x790]  }
0x1df: {  	v15 =	vmul.f32 v16, v15;
	v16 =	vmul.f32 v18, v17;
	v17 =	vld [tilespmem:s28+$0x4790]  }
0x1e0: {  	v18 =	vmul.f32 v20, v19;
	v19 =	vmul.f32 v22, v21;
	v20 =	vld [tilespmem:s28+$0x800]  }
0x1e1: {  	v15 =	vmul.f32 v15, v4;
	v16 =	vmul.f32 v16, v5;
	v21 =	vld [tilespmem:s28+$0x4800]  }
0x1e2: {  	v18 =	vmul.f32 v18, v4;
	v19 =	vmul.f32 v19, v5;
	v22 =	vld [tilespmem:s28+$0x810]  }
0x1e3: {  	v7 =	vadd.f32 v8, v7;
	v8 =	vadd.f32 v11, v10;
	v34 =	vld [tilespmem:s28+$0x4810]  }
0x1e4: {  	v10 =	vadd.f32 v16, v15;
	v11 =	vadd.f32 v19, v18;
	v15 =	vld [tilespmem:s28+$0x880]  }
0x1e5: {  	v18 =	vperm.xlane v7, v0;
	v19 =	vperm.xlane v8, v0;
	v16 =	vld [tilespmem:s28+$0x4880]  }
0x1e6: {  	v36 =	vperm.xlane v10, v0;
	v37 =	vperm.xlane v11, v0;
	v35 =	vld [tilespmem:s28+$0x890]  }
0x1e7: {  	v23 =	vmul.f32 v24, v23;
	v24 =	vmul.f32 v26, v25;
	v7 =	vadd.f32 v18, v7;
	v25 =	vld [tilespmem:s28+$0x4890]  }
0x1e8: {  	v18 =	vmul.f32 v28, v27;
	v8 =	vadd.f32 v19, v8;
	v26 =	vmul.f32 v30, v29;
	v38 =	vld [tilespmem:s28+$0x900]  }
0x1e9: {  	v10 =	vadd.f32 v36, v10;
	v19 =	vmul.f32 v23, v4;
	v23 =	vmul.f32 v24, v5;
	v39 =	vld [tilespmem:s28+$0x4900]  }
0x1ea: {  	v18 =	vmul.f32 v18, v4;
	v11 =	vadd.f32 v37, v11;
	v24 =	vmul.f32 v26, v5;
	v36 =	vld [tilespmem:s28+$0x910]  }
0x1eb: {  	v40 =	vsel vm0, v7, v8;
	v37 =	vld [tilespmem:s28+$0x4910]  }
0x1ec: {  	v19 =	vadd.f32 v23, v19;
	v7 =	vsel vm0, v10, v11;
	v23 =	vadd.f32 v24, v18;
	v41 =	vld [tilespmem:s28+$0x980]  }
0x1ed: {  	v43 =	vperm.xlane v40, v1;
	v8 =	vperm.xlane v7, v1;
	v42 =	vld [tilespmem:s28+$0x4980]  }
0x1ee: {  	v18 =	vperm.xlane v19, v0;
	v24 =	vperm.xlane v23, v0;
	v44 =	vld [tilespmem:s28+$0x990]  }
0x1ef: {  	v11 =	vmul.f32 v32, v31;
	v9 =	vmul.f32 v9, v33;
	v31 =	vld [tilespmem:s28+$0x4990]  }
0x1f0: {  	v12 =	vmul.f32 v13, v12;
	v13 =	vmul.f32 v17, v14;
	v10 =	vld [tilespmem:s28+$0xA00]  }
0x1f1: {  	v9 =	vmul.f32 v9, v5;
	v17 =	vmul.f32 v11, v4;
	v11 =	vld [tilespmem:s28+$0x4A00]  }
0x1f2: {  	v26 =	vmul.f32 v12, v4;
	v27 =	vmul.f32 v13, v5;
	v12 =	vld [tilespmem:s28+$0xA10]  }
0x1f3: {  	v20 =	vmul.f32 v21, v20;
	v21 =	vmul.f32 v34, v22;
	v13 =	vld [tilespmem:s28+$0x4A10]  }
0x1f4: {  	v22 =	vadd.f32 v18, v19;
	v15 =	vmul.f32 v16, v15;
	v16 =	vmul.f32 v25, v35;
	v14 =	vld [tilespmem:s28+$0xA80]  }
0x1f5: {  	v23 =	vadd.f32 v24, v23;
	v20 =	vmul.f32 v20, v4;
	v28 =	vmul.f32 v21, v5;
	v18 =	vld [tilespmem:s28+$0x4A80]  }
0x1f6: {  	v15 =	vmul.f32 v15, v4;
	v29 =	vmul.f32 v16, v5;
	v21 =	vld [tilespmem:s28+$0xA90]  }
0x1f7: {  	v19 =	vadd.f32 v9, v17;
	v25 =	vsel vm0, v22, v23;
	v16 =	vadd.f32 v27, v26;
	v24 =	vld [tilespmem:s28+$0x4A90]  }
0x1f8: {  	v17 =	vadd.f32 v28, v20;
	v30 =	vperm.xlane v25, v1;
	v15 =	vadd.f32 v29, v15;
	v20 =	vld [tilespmem:s28+$0xB00]  }
0x1f9: {  	v29 =	vperm.xlane v19, v0;
	v28 =	vperm.xlane v16, v0;
	v22 =	vld [tilespmem:s28+$0x4B00]  }
.Ltmp1:
0x1fa: {  	v27 =	vperm.xlane v17, v0;
	v23 =	vperm.xlane v15, v0;
	v26 =	vld [tilespmem:s28+$0xB10];
	(pc) =	sbr.rel @p0 .LBB2_5-.Ltmp1, $4  }
0x1fb: {  	v9 =	vmul.f32 v39, v38;
	v32 =	vmul.f32 v37, v36;
	v33 =	vld [tilespmem:s28+$0x4B10]  }
0x1fc: {  	v35 =	vmul.f32 v42, v41;
	v38 =	vmul.f32 v31, v44;
	v36 =	vld [tilespmem:s28+$0xB80]  }
0x1fd: {  	v34 =	vmul.f32 v32, v5;
	v31 =	vmul.f32 v9, v4;
	v37 =	vld [tilespmem:s28+$0x4B80]  }
0x1fe: {  	s29 =	sadd.s32 $0x2000, s29;
	v32 =	vmul.f32 v35, v4;
	v9 =	vadd.f32 v43, v40;
	v35 =	vmul.f32 v38, v5;
	v38 =	vld [tilespmem:s28+$0xB90]  }
0x1ff: {  	v10 =	vmul.f32 v11, v10;
	v62 =	vmul.f32 v13, v12;
	v63 =	vld [tilespmem:s28+$0x4B90];
	v7 =	vadd.f32 v8, v7  }
0x200: {  	v8 =	vmul.f32 v18, v14;
	v24 =	vmul.f32 v24, v21;
	v25 =	vadd.f32 v30, v25  }
0x201: {  	v29 =	vadd.f32 v29, v19;
	v30 =	vmul.f32 v22, v20;
	v39 =	vmul.f32 v33, v26  }
0x202: {  	v16 =	vadd.f32 v28, v16;
	v10 =	vmul.f32 v10, v4;
	v11 =	vmul.f32 v62, v5  }
0x203: {  	v17 =	vadd.f32 v27, v17;
	v8 =	vmul.f32 v8, v4;
	v13 =	vmul.f32 v24, v5  }
0x204: {  	v15 =	vadd.f32 v23, v15;
	v40 =	vmul.f32 v37, v36;
	v12 =	vmul.f32 v63, v38  }
0x205: {  	v41 =	vadd.f32 v34, v31;
	v19 =	vmul.f32 v30, v4;
	v20 =	vmul.f32 v39, v5  }
0x206: {  	v42 =	vadd.f32 v35, v32;
	v21 =	vmul.f32 v40, v4;
	v12 =	vmul.f32 v12, v5  }
0x207: {  	v43 =	vperm.xlane v41, v0;
	v10 =	vadd.f32 v11, v10;
	v8 =	vadd.f32 v13, v8  }
0x208: {  	v45 =	vperm.xlane v42, v0;
	v44 =	vadd.f32 v20, v19;
	v12 =	vadd.f32 v12, v21  }
0x209: {  	v11 =	vadd.f32 v43, v41;
	v46 =	vperm.xlane v10, v0;
	v47 =	vperm.xlane v8, v0  }
0x20a: {  	v19 =	vadd.f32 v45, v42;
	v48 =	vperm.xlane v44, v0;
	v49 =	vperm.xlane v12, v0  }
0x20b: {  	v16 =	vsel vm0, v29, v16;
	v10 =	vadd.f32 v46, v10;
	v8 =	vadd.f32 v47, v8  }
0x20c: {  	v15 =	vsel vm0, v17, v15;
	v13 =	vadd.f32 v48, v44;
	v12 =	vadd.f32 v49, v12  }
0x20d: {  	v50 =	vperm.xlane v16, v1;
	v51 =	vperm.xlane v15, v1;
	v11 =	vsel vm0, v11, v19  }
0x20e: {  	v53 =	vperm.xlane v11, v1;
	v8 =	vsel vm0, v10, v8;
	v52 =	vsel vm0, v13, v12  }
0x20f: {  	v54 =	vadd.f32 v50, v16;
	v55 =	vperm.xlane v8, v1;
	v56 =	vperm.xlane v52, v1  }
0x210: {  	v15 =	vadd.f32 v51, v15;
	v11 =	vadd.f32 v53, v11  }
0x211: {  	v7 =	vsel vm1, v9, v7;
	v8 =	vadd.f32 v55, v8;
	v57 =	vadd.f32 v56, v52  }
0x212: {  	v59 =	vperm.xlane v7, v2;
	v58 =	vsel vm1, v25, v54  }
0x213: {  	v60 =	vperm.xlane v58, v2;
	v11 =	vsel vm1, v15, v11;
	v8 =	vsel vm1, v8, v57  }
0x214: {  	v61 =	vperm.xlane v11, v2;
	v62 =	vperm.xlane v8, v2  }
0x215: {  	v7 =	vadd.f32 v59, v7;
	v9 =	vadd.f32 v60, v58  }
0x216: {  	v63 =	vadd.f32 v61, v11;
	v8 =	vadd.f32 v62, v8;
	_ =	sdelay $0x1  }
0x217: {  	v7 =	vsel vm2, v7, v9;
	v8 =	vsel vm2, v63, v8  }
0x218: {  	v9 =	vperm.xlane v7, v3;
	v10 =	vperm.xlane v8, v3;
	_ =	sdelay $0x1  }
0x219: {  	v7 =	vadd.f32 v9, v7;
	v8 =	vadd.f32 v10, v8;
	_ =	sdelay $0x1  }
0x21a: {  	v7 =	vsel vm3, v7, v8  }
0x21b: {  	v7 =	vadd.f32 v7, v6;
	_ =	sdelay $0x1  }
0x21c: {  	v7 =	vsub.f32 $0.0e+00, v7;
	_ =	sdelay $0x1  }
0x21d: {  	v7 =	vmul.f32 $1.442695020e+00, v7;
	_ =	sdelay $0x1  }
0x21e: {  	(erf) = vpow2.f32 v7;
	_ =	sdelay $0x8  }
0x21f: {  	v7 =	vpop (erf)  }
0x220: {  	v7 =	vadd.f32 $1.000000000e+00, v7;
	_ =	sdelay $0x1  }
0x221: {  	(erf) = vrcp.f32 v7;
	_ =	sdelay $0x2  }
0x222: {  	s3 =	rddreg [dreg:$0x17]  }
0x223: {  	s3 =	sadd.s32 $0x1, s3  }
0x224: {  	p0 =	sne.s32 s3, $0x4  }
.Ltmp2:
0x225: {  	_ = 	snop;
	(pc) =	sbr.rel @p0 .LBB2_2-.Ltmp2, $4  }
0x226: {  	_ = 	snop  }
0x227: {  	s14 =	rddreg [dreg:$0x14]  }
0x228: {  	s0 =	sadd.s32 $0x10, s26;
	s2 =	rddreg [dreg:$0x16];
	v7 =	vpop (erf)  }
0x229: {  	s1 =	sadd.s32 $0x80, s1;
	s14 =	sadd.s32 $0x80, s14;
	s2 =	sadd.s32 $0x80, s2;
	[tilespmem:s0+$0x0] =	vst v7  }
0x22a: {  	s0 =	rddreg [dreg:$0x11];
	s1 =	simm.s32 $0x8480  }
0x22b: {  	[hbm4b:s0+s10] =	stream.linear.scatter [tilespmem:s1], [sflag:$0x9], $0x200, $0x38;
	[tilespmem:$0x8680] =	vst v63  }
0x22c: {  	s1 =	simm.s32 $0x9  }
0x22d: {  	_ =	swait.ge [sflag:s1], $0x200  }
0x22e: {  	s2 =	rddreg [dreg:$0x13]  }
0x22f: {  	s30 =	rddreg [dreg:$0x12];
	s2 =	sadd.s32 $0x1, s2  }
0x230: {  	p0 =	sne.s32 s2, s30  }
.Ltmp3:
0x231: {  	_ = 	snop;
	(pc) =	sbr.rel @p0 .LBB2_1-.Ltmp3, $3  }
0x232: {  	_ =	sdelay $0x1  }
0x233: {  	[sflag:s1] =	ssyncset.done $0x0  }
0x234: {  	[sflag:s1] =	ssyncadd.s32 $0xFFFFFE00  }
0x235: {  	_ =	sfence.sel $0x180000  }
0x236: {  	[bflag:$0x0] =	sbarrier.arrive $0xFFFF  }
0x237: {  	_ =	strace $0x90000047  }
0x238: {  	s0 =	stileid.u32;
	[bflag:$0x2] =	sbarrier.arrive $0xFFFF  }
0x239: {  	p0 =	sne.s32 s0, $0x0;
	s0 =	rddreg [dreg:$0x5]  }
0x23a: {  	s0 =	sadd.s32 @!p0 $0x100000, s0  }
0x23b: {  	[sflag:s0] =	ssyncadd.tile.s32 @!p0 $0x1;
	_ =	shalt  }
.Lfunc_end2:
_tile_overlayer_lowered:
.L_overlay_start_2:
0x23c: {  	(tag) =	ssettag $0x2  }
0x23d: {  	s0 =	rddreg [dreg:$0x0];
	s2 =	stileid.u32  }
0x23e: {  	s1 =	rddreg [dreg:$0x1];
	p0 =	sne.s32 s2, $0x0  }
0x23f: {  	s3 =	rddreg [dreg:$0x2];
	[bflag:$0x3] =	sbarrier.arrive $0xFFFF;
	s2 =	simm.s32 @!p0 $0x1C09  }
0x240: {  	[timem:s3], [sflag:s2] =	dma.local @!p0 [hbm:s0], s1  }
0x241: {  	s0 =	simm.s32 @!p0 $0x9  }
0x242: {  	_ =	swait.ge @!p0 [sflag:s0], s1  }
0x243: {  	s1 =	ssub.s32 @!p0 $0x0, s1;
	[sflag:s0] =	ssyncset.done @!p0 $0x0  }
0x244: {  	[sflag:s0] =	ssyncadd.s32 @!p0 s1  }
0x245: {  	[bflag:$0x3] =	sbarrier.arrive $0xFFFF  }
0x246: {  	_ =	shalt  }

</sc_bundles>
